<compile_context>
chip_gen: v7x
topology: tpu7x:2x2x1
jax: 0.10.2.dev20260603
libtpu: 0.0.44.dev20260713+nightly
codegen_flags: <defaults>
</compile_context>

<pallas_src>
import functools

import jax
import jax.numpy as jnp
from jax import lax
from jax.experimental import pallas as pl
from jax.experimental.pallas import tpu as pltpu
from jax.experimental.pallas import tpu_sc as plsc

N = 64
H = 512
W = 512

NUM_CORES = 2
NUM_SUBCORES = 16
NUM_WORKERS = NUM_CORES * NUM_SUBCORES
N_PER_WORKER = N // NUM_WORKERS

ROWS = 32
SLABS_PER_N = H // ROWS
TOTAL_SLABS = N_PER_WORKER * SLABS_PER_N
SLOTS = 3
LANES = 16
SEGS = W // LANES
VECS = ROWS * SEGS
UNROLL = 8


def _sc_body(frames, rd_h, out, rv, in0, in1, sin, sout):
    wid = lax.axis_index("s") * NUM_CORES + lax.axis_index("c")

    pltpu.sync_copy(rd_h, rv)

    one = jnp.full((LANES,), 1.0, jnp.float32)
    zero = jnp.full((LANES,), 0.0, jnp.float32)
    ws = []
    for j in range(N_PER_WORKER):
        n = wid * N_PER_WORKER + j
        r = rv[n, :]
        d = rv[N + n, :]
        ws.append((jnp.where(d > 0, one - r, jnp.where(d < 0, r, one)),
                   jnp.where(d > 0, r, jnp.where(d < 0, one - r, zero))))

    def slab_addr(g):
        n = wid * N_PER_WORKER + g // SLABS_PER_N
        row0 = (g % SLABS_PER_N) * ROWS
        return n, row0

    def issue_in(g, s):
        n, row0 = slab_addr(g)
        pltpu.async_copy(frames.at[n, 0, pl.ds(row0, ROWS), :],
                         in0.at[s], sin.at[s])
        pltpu.async_copy(frames.at[n, 1, pl.ds(row0, ROWS), :],
                         in1.at[s], sin.at[s])

    issue_in(0, 0)
    issue_in(1, 1)

    def step(g, carry):
        s = lax.rem(g, SLOTS)
        n, row0 = slab_addr(g)
        pltpu.make_async_copy(frames.at[n, 0, pl.ds(row0, ROWS), :],
                              in0.at[s], sin.at[s]).wait()
        pltpu.make_async_copy(frames.at[n, 1, pl.ds(row0, ROWS), :],
                              in1.at[s], sin.at[s]).wait()

        sel = g >= SLABS_PER_N
        av = jnp.where(sel, ws[1][0], ws[0][0])
        bv = jnp.where(sel, ws[1][1], ws[0][1])

        @plsc.parallel_loop(0, VECS, step=1, unroll=UNROLL)
        def blend(i):
            row = i // SEGS
            c = (i % SEGS) * LANES
            x0 = in0[s, row, pl.ds(c, LANES)]
            x1 = in1[s, row, pl.ds(c, LANES)]
            in0[s, row, pl.ds(c, LANES)] = av * x0 + bv * x1

        pltpu.async_copy(in0.at[s], out.at[n, 0, pl.ds(row0, ROWS), :],
                         sout.at[s])

        s2 = lax.rem(g + 2, SLOTS)
        n2, row2 = slab_addr(lax.min(g + 2, TOTAL_SLABS - 1))

        @pl.when(jnp.logical_and(g >= SLOTS - 2, g + 2 < TOTAL_SLABS))
        def _():
            pltpu.make_async_copy(in0.at[s2],
                                  out.at[n2, 0, pl.ds(row2, ROWS), :],
                                  sout.at[s2]).wait()

        @pl.when(g + 2 < TOTAL_SLABS)
        def _():
            pltpu.async_copy(frames.at[n2, 0, pl.ds(row2, ROWS), :],
                             in0.at[s2], sin.at[s2])
            pltpu.async_copy(frames.at[n2, 1, pl.ds(row2, ROWS), :],
                             in1.at[s2], sin.at[s2])
        return carry

    lax.fori_loop(0, TOTAL_SLABS, step, 0)

    n_last, _ = slab_addr(0)
    for s in range(SLOTS):
        pltpu.make_async_copy(in0.at[s],
                              out.at[n_last, 0, pl.ds(0, ROWS), :],
                              sout.at[s]).wait()


_sc_call = functools.partial(
    pl.kernel,
    mesh=plsc.VectorSubcoreMesh(core_axis_name="c", subcore_axis_name="s"),
    out_type=jax.ShapeDtypeStruct((N, 1, H, W), jnp.float32),
    compiler_params=pltpu.CompilerParams(use_tc_tiling_on_sc=True),
    scratch_types=[
        pltpu.VMEM((2 * N, LANES), jnp.float32),
        pltpu.VMEM((SLOTS, ROWS, W), jnp.float32),
        pltpu.VMEM((SLOTS, ROWS, W), jnp.float32),
        pltpu.SemaphoreType.DMA((SLOTS,)),
        pltpu.SemaphoreType.DMA((SLOTS,)),
    ],
)(_sc_body)


def kernel(exist_frames, ratio, direction):
    rd = jnp.concatenate([ratio, direction], axis=0)
    rd_b = jnp.broadcast_to(rd, (2 * N, LANES))
    return _sc_call(exist_frames, rd_b)

# --- scband reference (transcript-rebuilt; emitter-appended) ---
"""Pipeline reference for scband-p-cle-interpolation-82772609729100 (READ-ONLY COPY).

The authoritative reference and input builder live on the scoring server;
editing this copy changes nothing except your own understanding.
"""

import jax, jax.numpy as jnp
import numpy as np

N = 64
HEIGHT = 512
WIDTH = 512


def setup_inputs(seed: int = 0) -> dict:
    key = jax.random.key(seed)
    k1, k2, k3 = jax.random.split(key, 3)
    exist_frames = jax.random.normal(k1, (N, 2, HEIGHT, WIDTH), dtype=jnp.float32)
    ratio = jax.random.uniform(k2, (N, 1), dtype=jnp.float32)
    # direction: sign drives branch selection; randn gives both positive and negative values
    direction = jax.random.normal(k3, (N, 1), dtype=jnp.float32)
    return {"exist_frames": exist_frames, "ratio": ratio, "direction": direction}


def reference(exist_frames, ratio, direction):
    # exist_frames: [N, 2, H, W], ratio: [N, 1], direction: [N, 1]
    r = ratio[:, :, None, None]          # [N,1,1,1]
    d = direction[:, :, None, None]      # [N,1,1,1]
    f0 = exist_frames[:, 0:1, :, :]      # [N,1,H,W]
    f1 = exist_frames[:, 1:2, :, :]      # [N,1,H,W]
    # direction > 0: ratio * frame1 + (1 - ratio) * frame0
    pos = r * f1 + (1.0 - r) * f0
    # direction < 0: ratio * frame0 + (1 - ratio) * frame1
    neg = r * f0 + (1.0 - r) * f1
    # direction == 0: frame0 (interp_frames initialized to zeros then overwritten per branch;
    # every row falls into exactly one branch, so the select is exact)
    interp_frames = jnp.where(d > 0, pos, jnp.where(d < 0, neg, f0))
    return interp_frames

if __name__ == "__main__":
    import jax
    _d = setup_inputs()
    print(jax.jit(kernel)(*tuple(_d.values())))

</pallas_src>

<mosaic_0001>
#map = affine_map<(d0, d1) -> (0, 0, 0, 0)>
#map1 = affine_map<(d0, d1) -> (0, 0)>
module attributes {stable_mosaic.version = 14 : i64} {
  func.func @_sc_body(%arg0: i32, %arg1: i32, %arg2: memref<64x2x512x512xf32, #tpu.memory_space<hbm>>, %arg3: memref<128x16xf32, #tpu.memory_space<hbm>>, %arg4: memref<64x1x512x512xf32, #tpu.memory_space<hbm>>, %arg5: memref<128x16xf32, #tpu.memory_space<vmem>>, %arg6: memref<3x32x512xf32, #tpu.memory_space<vmem>>, %arg7: memref<3x32x512xf32, #tpu.memory_space<vmem>>, %arg8: memref<3x!tpu.dma_semaphore, #tpu.memory_space<semaphore_mem>>, %arg9: memref<3x!tpu.dma_semaphore, #tpu.memory_space<semaphore_mem>>) attributes {dimension_semantics = [#tpu.dimension_semantics<core_parallel>, #tpu.dimension_semantics<subcore_parallel>], iteration_bounds = array<i64: 2, 16>, scalar_prefetch = 0 : i64, scratch_operands = 5 : i64, tpu.core_type = #tpu.core_type<sc_vector_subcore>, window_params = [{transform_indices = #map}, {transform_indices = #map1}, {transform_indices = #map}]} {
    %mul3A = arith.constant 2 : i32
    %mul3A_0 = arith.muli %arg1, %mul3A : i32
    %add3A = arith.addi %mul3A_0, %arg0 : i32
    "tpu.region"() ({
      %run_scoped3A = tpu.sem_alloc : memref<!tpu.dma_semaphore, #tpu.memory_space<semaphore_mem>>
      tpu.enqueue_dma source(%arg3 : memref<128x16xf32, #tpu.memory_space<hbm>>) target(%arg5 : memref<128x16xf32, #tpu.memory_space<vmem>>) target_semaphore(%run_scoped3A : memref<!tpu.dma_semaphore, #tpu.memory_space<semaphore_mem>>)
      tpu.wait_dma2 semaphore(%run_scoped3A : memref<!tpu.dma_semaphore, #tpu.memory_space<semaphore_mem>>) src(%arg3 : memref<128x16xf32, #tpu.memory_space<hbm>>) dst(%arg5 : memref<128x16xf32, #tpu.memory_space<vmem>>)
      tpu.yield
    }) : () -> ()
    %broadcast_in_dim3A = arith.constant 1.000000e+00 : f32
    %broadcast_in_dim3A_1 = vector.broadcast %broadcast_in_dim3A : f32 to vector<16xf32>
    %broadcast_in_dim3A_2 = arith.constant 0.000000e+00 : f32
    %broadcast_in_dim3A_3 = vector.broadcast %broadcast_in_dim3A_2 : f32 to vector<16xf32>
    %mul3A_4 = arith.constant 2 : i32
    %mul3A_5 = arith.muli %add3A, %mul3A_4 : i32
    %add3A_6 = arith.constant 0 : i32
    %add3A_7 = arith.addi %mul3A_5, %add3A_6 : i32
    %get3A = arith.index_cast %add3A_7 : i32 to index
    %get3A_8 = arith.constant 0 : index
    %get3A_9 = tpu.vector_load %arg5[%get3A, %get3A_8] {strides = array<i32>} : memref<128x16xf32, #tpu.memory_space<vmem>>, vector<1x16xf32>,
    %get3A_10 = vector.shape_cast %get3A_9 : vector<1x16xf32> to vector<16xf32>
    %add3A_11 = arith.constant 64 : i32
    %add3A_12 = arith.addi %add3A_11, %add3A_7 : i32
    %get3A_13 = arith.index_cast %add3A_12 : i32 to index
    %get3A_14 = arith.constant 0 : index
    %get3A_15 = tpu.vector_load %arg5[%get3A_13, %get3A_14] {strides = array<i32>} : memref<128x16xf32, #tpu.memory_space<vmem>>, vector<1x16xf32>,
    %get3A_16 = vector.shape_cast %get3A_15 : vector<1x16xf32> to vector<16xf32>
    %gt3A = arith.constant 0.000000e+00 : f32
    %gt3A_17 = vector.broadcast %gt3A : f32 to vector<16xf32>
    %gt3A_18 = arith.cmpf ogt, %get3A_16, %gt3A_17 : vector<16xf32>
    %sub3A = arith.subf %broadcast_in_dim3A_1, %get3A_10 : vector<16xf32>
    %lt3A = arith.constant 0.000000e+00 : f32
    %lt3A_19 = vector.broadcast %lt3A : f32 to vector<16xf32>
    %lt3A_20 = arith.cmpf olt, %get3A_16, %lt3A_19 : vector<16xf32>
    %select_n3A = arith.select %lt3A_20, %get3A_10, %broadcast_in_dim3A_1 : vector<16xi1>, vector<16xf32>
    %select_n3A_21 = arith.select %gt3A_18, %sub3A, %select_n3A : vector<16xi1>, vector<16xf32>
    %gt3A_22 = arith.constant 0.000000e+00 : f32
    %gt3A_23 = vector.broadcast %gt3A_22 : f32 to vector<16xf32>
    %gt3A_24 = arith.cmpf ogt, %get3A_16, %gt3A_23 : vector<16xf32>
    %lt3A_25 = arith.constant 0.000000e+00 : f32
    %lt3A_26 = vector.broadcast %lt3A_25 : f32 to vector<16xf32>
    %lt3A_27 = arith.cmpf olt, %get3A_16, %lt3A_26 : vector<16xf32>
    %sub3A_28 = arith.subf %broadcast_in_dim3A_1, %get3A_10 : vector<16xf32>
    %select_n3A_29 = arith.select %lt3A_27, %sub3A_28, %broadcast_in_dim3A_3 : vector<16xi1>, vector<16xf32>
    %select_n3A_30 = arith.select %gt3A_24, %get3A_10, %select_n3A_29 : vector<16xi1>, vector<16xf32>
    %mul3A_31 = arith.constant 2 : i32
    %mul3A_32 = arith.muli %add3A, %mul3A_31 : i32
    %add3A_33 = arith.constant 1 : i32
    %add3A_34 = arith.addi %mul3A_32, %add3A_33 : i32
    %get3A_35 = arith.index_cast %add3A_34 : i32 to index
    %get3A_36 = arith.constant 0 : index
    %get3A_37 = tpu.vector_load %arg5[%get3A_35, %get3A_36] {strides = array<i32>} : memref<128x16xf32, #tpu.memory_space<vmem>>, vector<1x16xf32>,
    %get3A_38 = vector.shape_cast %get3A_37 : vector<1x16xf32> to vector<16xf32>
    %add3A_39 = arith.constant 64 : i32
    %add3A_40 = arith.addi %add3A_39, %add3A_34 : i32
    %get3A_41 = arith.index_cast %add3A_40 : i32 to index
    %get3A_42 = arith.constant 0 : index
    %get3A_43 = tpu.vector_load %arg5[%get3A_41, %get3A_42] {strides = array<i32>} : memref<128x16xf32, #tpu.memory_space<vmem>>, vector<1x16xf32>,
    %get3A_44 = vector.shape_cast %get3A_43 : vector<1x16xf32> to vector<16xf32>
    %gt3A_45 = arith.constant 0.000000e+00 : f32
    %gt3A_46 = vector.broadcast %gt3A_45 : f32 to vector<16xf32>
    %gt3A_47 = arith.cmpf ogt, %get3A_44, %gt3A_46 : vector<16xf32>
    %sub3A_48 = arith.subf %broadcast_in_dim3A_1, %get3A_38 : vector<16xf32>
    %lt3A_49 = arith.constant 0.000000e+00 : f32
    %lt3A_50 = vector.broadcast %lt3A_49 : f32 to vector<16xf32>
    %lt3A_51 = arith.cmpf olt, %get3A_44, %lt3A_50 : vector<16xf32>
    %select_n3A_52 = arith.select %lt3A_51, %get3A_38, %broadcast_in_dim3A_1 : vector<16xi1>, vector<16xf32>
    %select_n3A_53 = arith.select %gt3A_47, %sub3A_48, %select_n3A_52 : vector<16xi1>, vector<16xf32>
    %gt3A_54 = arith.constant 0.000000e+00 : f32
    %gt3A_55 = vector.broadcast %gt3A_54 : f32 to vector<16xf32>
    %gt3A_56 = arith.cmpf ogt, %get3A_44, %gt3A_55 : vector<16xf32>
    %lt3A_57 = arith.constant 0.000000e+00 : f32
    %lt3A_58 = vector.broadcast %lt3A_57 : f32 to vector<16xf32>
    %lt3A_59 = arith.cmpf olt, %get3A_44, %lt3A_58 : vector<16xf32>
    %sub3A_60 = arith.subf %broadcast_in_dim3A_1, %get3A_38 : vector<16xf32>
    %select_n3A_61 = arith.select %lt3A_59, %sub3A_60, %broadcast_in_dim3A_3 : vector<16xi1>, vector<16xf32>
    %select_n3A_62 = arith.select %gt3A_56, %get3A_38, %select_n3A_61 : vector<16xi1>, vector<16xf32>
    %mul3A_63 = arith.constant 2 : i32
    %mul3A_64 = arith.muli %add3A, %mul3A_63 : i32
    %add3A_65 = arith.constant 0 : i32
    %add3A_66 = arith.addi %mul3A_64, %add3A_65 : i32
    %dma_start3A = arith.constant 0 : i32
    %dma_start3A_67 = arith.constant 0 : i32
    %dma_start3A_68 = arith.constant 0 : i32
    %dma_start3A_69 = arith.constant 0 : i32
    %dma_start3A_70 = arith.constant 0 : i32
    %dma_start3A_71 = tpu.memref_slice %arg6[%dma_start3A_67, %dma_start3A_69, %dma_start3A_70] : memref<3x32x512xf32, #tpu.memory_space<vmem>> -> memref<1x32x512xf32, #tpu.memory_space<vmem>>
    %dma_start3A_72 = tpu.memref_squeeze %dma_start3A_71 : memref<1x32x512xf32, #tpu.memory_space<vmem>> -> memref<32x512xf32, #tpu.memory_space<vmem>>
    %dma_start3A_73 = arith.constant 0 : i32
    %dma_start3A_74 = arith.constant 0 : i32
    %dma_start3A_75 = tpu.memref_slice %arg2[%add3A_66, %dma_start3A, %dma_start3A_73, %dma_start3A_74] : memref<64x2x512x512xf32, #tpu.memory_space<hbm>> -> memref<1x1x32x512xf32, #tpu.memory_space<hbm>>
    %dma_start3A_76 = tpu.memref_squeeze %dma_start3A_75 : memref<1x1x32x512xf32, #tpu.memory_space<hbm>> -> memref<32x512xf32, #tpu.memory_space<hbm>>
    %dma_start3A_77 = tpu.memref_slice %arg8[%dma_start3A_68] : memref<3x!tpu.dma_semaphore, #tpu.memory_space<semaphore_mem>> -> memref<1x!tpu.dma_semaphore, #tpu.memory_space<semaphore_mem>>
    %dma_start3A_78 = tpu.memref_squeeze %dma_start3A_77 : memref<1x!tpu.dma_semaphore, #tpu.memory_space<semaphore_mem>> -> memref<!tpu.dma_semaphore, #tpu.memory_space<semaphore_mem>>
    %dma_start3A_79 = arith.constant 0 : i32
    %dma_start3A_80 = arith.constant 0 : i32
    %dma_start3A_81 = tpu.memref_slice %arg6[%dma_start3A_67, %dma_start3A_79, %dma_start3A_80] : memref<3x32x512xf32, #tpu.memory_space<vmem>> -> memref<1x32x512xf32, #tpu.memory_space<vmem>>
    %dma_start3A_82 = tpu.memref_squeeze %dma_start3A_81 : memref<1x32x512xf32, #tpu.memory_space<vmem>> -> memref<32x512xf32, #tpu.memory_space<vmem>>
    %dma_start3A_83 = arith.constant 0 : i32
    %dma_start3A_84 = arith.constant 0 : i32
    %dma_start3A_85 = tpu.memref_slice %arg2[%add3A_66, %dma_start3A, %dma_start3A_83, %dma_start3A_84] : memref<64x2x512x512xf32, #tpu.memory_space<hbm>> -> memref<1x1x32x512xf32, #tpu.memory_space<hbm>>
    %dma_start3A_86 = tpu.memref_squeeze %dma_start3A_85 : memref<1x1x32x512xf32, #tpu.memory_space<hbm>> -> memref<32x512xf32, #tpu.memory_space<hbm>>
    tpu.enqueue_dma source(%dma_start3A_86 : memref<32x512xf32, #tpu.memory_space<hbm>>) target(%dma_start3A_82 : memref<32x512xf32, #tpu.memory_space<vmem>>) target_semaphore(%dma_start3A_78 : memref<!tpu.dma_semaphore, #tpu.memory_space<semaphore_mem>>)
    %dma_start3A_87 = arith.constant 1 : i32
    %dma_start3A_88 = arith.constant 0 : i32
    %dma_start3A_89 = arith.constant 0 : i32
    %dma_start3A_90 = arith.constant 0 : i32
    %dma_start3A_91 = arith.constant 0 : i32
    %dma_start3A_92 = tpu.memref_slice %arg7[%dma_start3A_88, %dma_start3A_90, %dma_start3A_91] : memref<3x32x512xf32, #tpu.memory_space<vmem>> -> memref<1x32x512xf32, #tpu.memory_space<vmem>>
    %dma_start3A_93 = tpu.memref_squeeze %dma_start3A_92 : memref<1x32x512xf32, #tpu.memory_space<vmem>> -> memref<32x512xf32, #tpu.memory_space<vmem>>
    %dma_start3A_94 = arith.constant 0 : i32
    %dma_start3A_95 = arith.constant 0 : i32
    %dma_start3A_96 = tpu.memref_slice %arg2[%add3A_66, %dma_start3A_87, %dma_start3A_94, %dma_start3A_95] : memref<64x2x512x512xf32, #tpu.memory_space<hbm>> -> memref<1x1x32x512xf32, #tpu.memory_space<hbm>>
    %dma_start3A_97 = tpu.memref_squeeze %dma_start3A_96 : memref<1x1x32x512xf32, #tpu.memory_space<hbm>> -> memref<32x512xf32, #tpu.memory_space<hbm>>
    %dma_start3A_98 = tpu.memref_slice %arg8[%dma_start3A_89] : memref<3x!tpu.dma_semaphore, #tpu.memory_space<semaphore_mem>> -> memref<1x!tpu.dma_semaphore, #tpu.memory_space<semaphore_mem>>
    %dma_start3A_99 = tpu.memref_squeeze %dma_start3A_98 : memref<1x!tpu.dma_semaphore, #tpu.memory_space<semaphore_mem>> -> memref<!tpu.dma_semaphore, #tpu.memory_space<semaphore_mem>>
    %dma_start3A_100 = arith.constant 0 : i32
    %dma_start3A_101 = arith.constant 0 : i32
    %dma_start3A_102 = tpu.memref_slice %arg7[%dma_start3A_88, %dma_start3A_100, %dma_start3A_101] : memref<3x32x512xf32, #tpu.memory_space<vmem>> -> memref<1x32x512xf32, #tpu.memory_space<vmem>>
    %dma_start3A_103 = tpu.memref_squeeze %dma_start3A_102 : memref<1x32x512xf32, #tpu.memory_space<vmem>> -> memref<32x512xf32, #tpu.memory_space<vmem>>
    %dma_start3A_104 = arith.constant 0 : i32
    %dma_start3A_105 = arith.constant 0 : i32
    %dma_start3A_106 = tpu.memref_slice %arg2[%add3A_66, %dma_start3A_87, %dma_start3A_104, %dma_start3A_105] : memref<64x2x512x512xf32, #tpu.memory_space<hbm>> -> memref<1x1x32x512xf32, #tpu.memory_space<hbm>>
    %dma_start3A_107 = tpu.memref_squeeze %dma_start3A_106 : memref<1x1x32x512xf32, #tpu.memory_space<hbm>> -> memref<32x512xf32, #tpu.memory_space<hbm>>
    tpu.enqueue_dma source(%dma_start3A_107 : memref<32x512xf32, #tpu.memory_space<hbm>>) target(%dma_start3A_103 : memref<32x512xf32, #tpu.memory_space<vmem>>) target_semaphore(%dma_start3A_99 : memref<!tpu.dma_semaphore, #tpu.memory_space<semaphore_mem>>)
    %mul3A_108 = arith.constant 2 : i32
    %mul3A_109 = arith.muli %add3A, %mul3A_108 : i32
    %add3A_110 = arith.constant 0 : i32
    %add3A_111 = arith.addi %mul3A_109, %add3A_110 : i32
    %dma_start3A_112 = arith.constant 0 : i32
    %dma_start3A_113 = arith.constant 1 : i32
    %dma_start3A_114 = arith.constant 1 : i32
    %dma_start3A_115 = arith.constant 0 : i32
    %dma_start3A_116 = arith.constant 0 : i32
    %dma_start3A_117 = tpu.memref_slice %arg6[%dma_start3A_113, %dma_start3A_115, %dma_start3A_116] : memref<3x32x512xf32, #tpu.memory_space<vmem>> -> memref<1x32x512xf32, #tpu.memory_space<vmem>>
    %dma_start3A_118 = tpu.memref_squeeze %dma_start3A_117 : memref<1x32x512xf32, #tpu.memory_space<vmem>> -> memref<32x512xf32, #tpu.memory_space<vmem>>
    %dma_start3A_119 = arith.constant 32 : i32
    %dma_start3A_120 = arith.constant 0 : i32
    %dma_start3A_121 = tpu.memref_slice %arg2[%add3A_111, %dma_start3A_112, %dma_start3A_119, %dma_start3A_120] : memref<64x2x512x512xf32, #tpu.memory_space<hbm>> -> memref<1x1x32x512xf32, #tpu.memory_space<hbm>>
    %dma_start3A_122 = tpu.memref_squeeze %dma_start3A_121 : memref<1x1x32x512xf32, #tpu.memory_space<hbm>> -> memref<32x512xf32, #tpu.memory_space<hbm>>
    %dma_start3A_123 = tpu.memref_slice %arg8[%dma_start3A_114] : memref<3x!tpu.dma_semaphore, #tpu.memory_space<semaphore_mem>> -> memref<1x!tpu.dma_semaphore, #tpu.memory_space<semaphore_mem>>
    %dma_start3A_124 = tpu.memref_squeeze %dma_start3A_123 : memref<1x!tpu.dma_semaphore, #tpu.memory_space<semaphore_mem>> -> memref<!tpu.dma_semaphore, #tpu.memory_space<semaphore_mem>>
    %dma_start3A_125 = arith.constant 0 : i32
    %dma_start3A_126 = arith.constant 0 : i32
    %dma_start3A_127 = tpu.memref_slice %arg6[%dma_start3A_113, %dma_start3A_125, %dma_start3A_126] : memref<3x32x512xf32, #tpu.memory_space<vmem>> -> memref<1x32x512xf32, #tpu.memory_space<vmem>>
    %dma_start3A_128 = tpu.memref_squeeze %dma_start3A_127 : memref<1x32x512xf32, #tpu.memory_space<vmem>> -> memref<32x512xf32, #tpu.memory_space<vmem>>
    %dma_start3A_129 = arith.constant 32 : i32
    %dma_start3A_130 = arith.constant 0 : i32
    %dma_start3A_131 = tpu.memref_slice %arg2[%add3A_111, %dma_start3A_112, %dma_start3A_129, %dma_start3A_130] : memref<64x2x512x512xf32, #tpu.memory_space<hbm>> -> memref<1x1x32x512xf32, #tpu.memory_space<hbm>>
    %dma_start3A_132 = tpu.memref_squeeze %dma_start3A_131 : memref<1x1x32x512xf32, #tpu.memory_space<hbm>> -> memref<32x512xf32, #tpu.memory_space<hbm>>
    tpu.enqueue_dma source(%dma_start3A_132 : memref<32x512xf32, #tpu.memory_space<hbm>>) target(%dma_start3A_128 : memref<32x512xf32, #tpu.memory_space<vmem>>) target_semaphore(%dma_start3A_124 : memref<!tpu.dma_semaphore, #tpu.memory_space<semaphore_mem>>)
    %dma_start3A_133 = arith.constant 1 : i32
    %dma_start3A_134 = arith.constant 1 : i32
    %dma_start3A_135 = arith.constant 1 : i32
    %dma_start3A_136 = arith.constant 0 : i32
    %dma_start3A_137 = arith.constant 0 : i32
    %dma_start3A_138 = tpu.memref_slice %arg7[%dma_start3A_134, %dma_start3A_136, %dma_start3A_137] : memref<3x32x512xf32, #tpu.memory_space<vmem>> -> memref<1x32x512xf32, #tpu.memory_space<vmem>>
    %dma_start3A_139 = tpu.memref_squeeze %dma_start3A_138 : memref<1x32x512xf32, #tpu.memory_space<vmem>> -> memref<32x512xf32, #tpu.memory_space<vmem>>
    %dma_start3A_140 = arith.constant 32 : i32
    %dma_start3A_141 = arith.constant 0 : i32
    %dma_start3A_142 = tpu.memref_slice %arg2[%add3A_111, %dma_start3A_133, %dma_start3A_140, %dma_start3A_141] : memref<64x2x512x512xf32, #tpu.memory_space<hbm>> -> memref<1x1x32x512xf32, #tpu.memory_space<hbm>>
    %dma_start3A_143 = tpu.memref_squeeze %dma_start3A_142 : memref<1x1x32x512xf32, #tpu.memory_space<hbm>> -> memref<32x512xf32, #tpu.memory_space<hbm>>
    %dma_start3A_144 = tpu.memref_slice %arg8[%dma_start3A_135] : memref<3x!tpu.dma_semaphore, #tpu.memory_space<semaphore_mem>> -> memref<1x!tpu.dma_semaphore, #tpu.memory_space<semaphore_mem>>
    %dma_start3A_145 = tpu.memref_squeeze %dma_start3A_144 : memref<1x!tpu.dma_semaphore, #tpu.memory_space<semaphore_mem>> -> memref<!tpu.dma_semaphore, #tpu.memory_space<semaphore_mem>>
    %dma_start3A_146 = arith.constant 0 : i32
    %dma_start3A_147 = arith.constant 0 : i32
    %dma_start3A_148 = tpu.memref_slice %arg7[%dma_start3A_134, %dma_start3A_146, %dma_start3A_147] : memref<3x32x512xf32, #tpu.memory_space<vmem>> -> memref<1x32x512xf32, #tpu.memory_space<vmem>>
    %dma_start3A_149 = tpu.memref_squeeze %dma_start3A_148 : memref<1x32x512xf32, #tpu.memory_space<vmem>> -> memref<32x512xf32, #tpu.memory_space<vmem>>
    %dma_start3A_150 = arith.constant 32 : i32
    %dma_start3A_151 = arith.constant 0 : i32
    %dma_start3A_152 = tpu.memref_slice %arg2[%add3A_111, %dma_start3A_133, %dma_start3A_150, %dma_start3A_151] : memref<64x2x512x512xf32, #tpu.memory_space<hbm>> -> memref<1x1x32x512xf32, #tpu.memory_space<hbm>>
    %dma_start3A_153 = tpu.memref_squeeze %dma_start3A_152 : memref<1x1x32x512xf32, #tpu.memory_space<hbm>> -> memref<32x512xf32, #tpu.memory_space<hbm>>
    tpu.enqueue_dma source(%dma_start3A_153 : memref<32x512xf32, #tpu.memory_space<hbm>>) target(%dma_start3A_149 : memref<32x512xf32, #tpu.memory_space<vmem>>) target_semaphore(%dma_start3A_145 : memref<!tpu.dma_semaphore, #tpu.memory_space<semaphore_mem>>)
    %scan3A = arith.constant 0 : i32
    %scan3A_154 = arith.constant 0 : i32
    %scan3A_155 = arith.constant 32 : i32
    %scan3A_156 = arith.addi %scan3A_154, %scan3A_155 : i32
    %scan3A_157 = arith.constant 1 : i32
    scf.for %scan3A_225 = %scan3A_154 to %scan3A_156 step %scan3A_157  : i32 {
      %rem3A = arith.constant 3 : i32
      %rem3A_226 = arith.remsi %scan3A_225, %rem3A : i32
      %mul3A_227 = arith.constant 2 : i32
      %mul3A_228 = arith.muli %add3A, %mul3A_227 : i32
      %jit3A = arith.constant 16 : i32
      %div3A = arith.divsi %scan3A_225, %jit3A : i32
      %sign3A = arith.constant 0 : i32
      %sign3A_229 = arith.cmpi sgt, %scan3A_225, %sign3A : i32
      %sign3A_230 = arith.extui %sign3A_229 : i1 to i32
      %sign3A_231 = arith.constant 0 : i32
      %sign3A_232 = arith.cmpi slt, %scan3A_225, %sign3A_231 : i32
      %sign3A_233 = arith.extui %sign3A_232 : i1 to i32
      %sign3A_234 = arith.subi %sign3A_230, %sign3A_233 : i32
      %sign3A_235 = arith.constant 0 : i32
      %sign3A_236 = arith.cmpi sgt, %jit3A, %sign3A_235 : i32
      %sign3A_237 = arith.extui %sign3A_236 : i1 to i32
      %sign3A_238 = arith.constant 0 : i32
      %sign3A_239 = arith.cmpi slt, %jit3A, %sign3A_238 : i32
      %sign3A_240 = arith.extui %sign3A_239 : i1 to i32
      %sign3A_241 = arith.subi %sign3A_237, %sign3A_240 : i32
      %ne3A = arith.cmpi ne, %sign3A_234, %sign3A_241 : i32
      %rem3A_242 = arith.remsi %scan3A_225, %jit3A : i32
      %ne3A_243 = arith.constant 0 : i32
      %ne3A_244 = arith.cmpi ne, %rem3A_242, %ne3A_243 : i32
      %and3A = arith.andi %ne3A, %ne3A_244 : i1
      %sub3A_245 = arith.constant 1 : i32
      %sub3A_246 = arith.subi %div3A, %sub3A_245 : i32
      %select_n3A_247 = arith.select %and3A, %sub3A_246, %div3A : i32
      %add3A_248 = arith.addi %mul3A_228, %select_n3A_247 : i32
      %jit3A_249 = arith.constant 16 : i32
      %eq3A = arith.constant 0 : i32
      %eq3A_250 = arith.cmpi eq, %jit3A_249, %eq3A : i32
      %jit3A_251 = arith.constant 1 : i32
      %select_n3A_252 = arith.select %eq3A_250, %jit3A_251, %jit3A_249 : i32
      %rem3A_253 = arith.remsi %scan3A_225, %select_n3A_252 : i32
      %ne3A_254 = arith.constant 0 : i32
      %ne3A_255 = arith.cmpi ne, %rem3A_253, %ne3A_254 : i32
      %lt3A_256 = arith.constant 0 : i32
      %lt3A_257 = arith.cmpi slt, %rem3A_253, %lt3A_256 : i32
      %lt3A_258 = arith.constant 0 : i32
      %lt3A_259 = arith.cmpi slt, %select_n3A_252, %lt3A_258 : i32
      %ne3A_260 = arith.xori %lt3A_257, %lt3A_259 : i1
      %and3A_261 = arith.andi %ne3A_260, %ne3A_255 : i1
      %add3A_262 = arith.addi %rem3A_253, %select_n3A_252 : i32
      %select_n3A_263 = arith.select %and3A_261, %add3A_262, %rem3A_253 : i32
      %mul3A_264 = arith.constant 32 : i32
      %mul3A_265 = arith.muli %select_n3A_263, %mul3A_264 : i32
      %dma_wait3A_266 = arith.constant 0 : i32
      %dma_wait3A_267 = arith.constant 0 : i32
      %dma_wait3A_268 = arith.constant 0 : i32
      %dma_wait3A_269 = tpu.memref_slice %arg6[%rem3A_226, %dma_wait3A_267, %dma_wait3A_268] : memref<3x32x512xf32, #tpu.memory_space<vmem>> -> memref<1x32x512xf32, #tpu.memory_space<vmem>>
      %dma_wait3A_270 = tpu.memref_squeeze %dma_wait3A_269 : memref<1x32x512xf32, #tpu.memory_space<vmem>> -> memref<32x512xf32, #tpu.memory_space<vmem>>
      %dma_wait3A_271 = arith.constant 0 : i32
      %dma_wait3A_272 = tpu.memref_slice %arg2[%add3A_248, %dma_wait3A_266, %mul3A_265, %dma_wait3A_271] : memref<64x2x512x512xf32, #tpu.memory_space<hbm>> -> memref<1x1x32x512xf32, #tpu.memory_space<hbm>>
      %dma_wait3A_273 = tpu.memref_squeeze %dma_wait3A_272 : memref<1x1x32x512xf32, #tpu.memory_space<hbm>> -> memref<32x512xf32, #tpu.memory_space<hbm>>
      %dma_wait3A_274 = tpu.memref_slice %arg8[%rem3A_226] : memref<3x!tpu.dma_semaphore, #tpu.memory_space<semaphore_mem>> -> memref<1x!tpu.dma_semaphore, #tpu.memory_space<semaphore_mem>>
      %dma_wait3A_275 = tpu.memref_squeeze %dma_wait3A_274 : memref<1x!tpu.dma_semaphore, #tpu.memory_space<semaphore_mem>> -> memref<!tpu.dma_semaphore, #tpu.memory_space<semaphore_mem>>
      %dma_wait3A_276 = arith.constant 0 : i32
      %dma_wait3A_277 = arith.constant 0 : i32
      %dma_wait3A_278 = tpu.memref_slice %arg6[%rem3A_226, %dma_wait3A_276, %dma_wait3A_277] : memref<3x32x512xf32, #tpu.memory_space<vmem>> -> memref<1x32x512xf32, #tpu.memory_space<vmem>>
      %dma_wait3A_279 = tpu.memref_squeeze %dma_wait3A_278 : memref<1x32x512xf32, #tpu.memory_space<vmem>> -> memref<32x512xf32, #tpu.memory_space<vmem>>
      %dma_wait3A_280 = arith.constant 0 : i32
      %dma_wait3A_281 = tpu.memref_slice %arg2[%add3A_248, %dma_wait3A_266, %mul3A_265, %dma_wait3A_280] : memref<64x2x512x512xf32, #tpu.memory_space<hbm>> -> memref<1x1x32x512xf32, #tpu.memory_space<hbm>>
      %dma_wait3A_282 = tpu.memref_squeeze %dma_wait3A_281 : memref<1x1x32x512xf32, #tpu.memory_space<hbm>> -> memref<32x512xf32, #tpu.memory_space<hbm>>
      tpu.wait_dma2 semaphore(%dma_wait3A_275 : memref<!tpu.dma_semaphore, #tpu.memory_space<semaphore_mem>>) src(%dma_wait3A_282 : memref<32x512xf32, #tpu.memory_space<hbm>>) dst(%dma_wait3A_279 : memref<32x512xf32, #tpu.memory_space<vmem>>)
      %dma_wait3A_283 = arith.constant 1 : i32
      %dma_wait3A_284 = arith.constant 0 : i32
      %dma_wait3A_285 = arith.constant 0 : i32
      %dma_wait3A_286 = tpu.memref_slice %arg7[%rem3A_226, %dma_wait3A_284, %dma_wait3A_285] : memref<3x32x512xf32, #tpu.memory_space<vmem>> -> memref<1x32x512xf32, #tpu.memory_space<vmem>>
      %dma_wait3A_287 = tpu.memref_squeeze %dma_wait3A_286 : memref<1x32x512xf32, #tpu.memory_space<vmem>> -> memref<32x512xf32, #tpu.memory_space<vmem>>
      %dma_wait3A_288 = arith.constant 0 : i32
      %dma_wait3A_289 = tpu.memref_slice %arg2[%add3A_248, %dma_wait3A_283, %mul3A_265, %dma_wait3A_288] : memref<64x2x512x512xf32, #tpu.memory_space<hbm>> -> memref<1x1x32x512xf32, #tpu.memory_space<hbm>>
      %dma_wait3A_290 = tpu.memref_squeeze %dma_wait3A_289 : memref<1x1x32x512xf32, #tpu.memory_space<hbm>> -> memref<32x512xf32, #tpu.memory_space<hbm>>
      %dma_wait3A_291 = tpu.memref_slice %arg8[%rem3A_226] : memref<3x!tpu.dma_semaphore, #tpu.memory_space<semaphore_mem>> -> memref<1x!tpu.dma_semaphore, #tpu.memory_space<semaphore_mem>>
      %dma_wait3A_292 = tpu.memref_squeeze %dma_wait3A_291 : memref<1x!tpu.dma_semaphore, #tpu.memory_space<semaphore_mem>> -> memref<!tpu.dma_semaphore, #tpu.memory_space<semaphore_mem>>
      %dma_wait3A_293 = arith.constant 0 : i32
      %dma_wait3A_294 = arith.constant 0 : i32
      %dma_wait3A_295 = tpu.memref_slice %arg7[%rem3A_226, %dma_wait3A_293, %dma_wait3A_294] : memref<3x32x512xf32, #tpu.memory_space<vmem>> -> memref<1x32x512xf32, #tpu.memory_space<vmem>>
      %dma_wait3A_296 = tpu.memref_squeeze %dma_wait3A_295 : memref<1x32x512xf32, #tpu.memory_space<vmem>> -> memref<32x512xf32, #tpu.memory_space<vmem>>
      %dma_wait3A_297 = arith.constant 0 : i32
      %dma_wait3A_298 = tpu.memref_slice %arg2[%add3A_248, %dma_wait3A_283, %mul3A_265, %dma_wait3A_297] : memref<64x2x512x512xf32, #tpu.memory_space<hbm>> -> memref<1x1x32x512xf32, #tpu.memory_space<hbm>>
      %dma_wait3A_299 = tpu.memref_squeeze %dma_wait3A_298 : memref<1x1x32x512xf32, #tpu.memory_space<hbm>> -> memref<32x512xf32, #tpu.memory_space<hbm>>
      tpu.wait_dma2 semaphore(%dma_wait3A_292 : memref<!tpu.dma_semaphore, #tpu.memory_space<semaphore_mem>>) src(%dma_wait3A_299 : memref<32x512xf32, #tpu.memory_space<hbm>>) dst(%dma_wait3A_296 : memref<32x512xf32, #tpu.memory_space<vmem>>)
      %ge3A = arith.constant 16 : i32
      %ge3A_300 = arith.cmpi sge, %scan3A_225, %ge3A : i32
      %select_n3A_301 = arith.select %ge3A_300, %select_n3A_53, %select_n3A_21 : vector<16xf32>
      %select_n3A_302 = arith.select %ge3A_300, %select_n3A_62, %select_n3A_30 : vector<16xf32>
      %parallel_loop3A = arith.constant 0 : i32
      %parallel_loop3A_303 = arith.constant 1024 : i32
      %parallel_loop3A_304 = arith.constant 1 : i32
      scf.for %parallel_loop3A_389 = %parallel_loop3A to %parallel_loop3A_303 step %parallel_loop3A_304  : i32 {
        %parallel_loop3A_390 = arith.constant 32 : i32
        %parallel_loop3A_391 = arith.divsi %parallel_loop3A_389, %parallel_loop3A_390 : i32
        %parallel_loop3A_392 = arith.constant 0 : i32
        %parallel_loop3A_393 = arith.cmpi sgt, %parallel_loop3A_389, %parallel_loop3A_392 : i32
        %parallel_loop3A_394 = arith.extui %parallel_loop3A_393 : i1 to i32
        %parallel_loop3A_395 = arith.constant 0 : i32
        %parallel_loop3A_396 = arith.cmpi slt, %parallel_loop3A_389, %parallel_loop3A_395 : i32
        %parallel_loop3A_397 = arith.extui %parallel_loop3A_396 : i1 to i32
        %parallel_loop3A_398 = arith.subi %parallel_loop3A_394, %parallel_loop3A_397 : i32
        %parallel_loop3A_399 = arith.constant 0 : i32
        %parallel_loop3A_400 = arith.cmpi sgt, %parallel_loop3A_390, %parallel_loop3A_399 : i32
        %parallel_loop3A_401 = arith.extui %parallel_loop3A_400 : i1 to i32
        %parallel_loop3A_402 = arith.constant 0 : i32
        %parallel_loop3A_403 = arith.cmpi slt, %parallel_loop3A_390, %parallel_loop3A_402 : i32
        %parallel_loop3A_404 = arith.extui %parallel_loop3A_403 : i1 to i32
        %parallel_loop3A_405 = arith.subi %parallel_loop3A_401, %parallel_loop3A_404 : i32
        %parallel_loop3A_406 = arith.cmpi ne, %parallel_loop3A_398, %parallel_loop3A_405 : i32
        %parallel_loop3A_407 = arith.remsi %parallel_loop3A_389, %parallel_loop3A_390 : i32
        %parallel_loop3A_408 = arith.constant 0 : i32
        %parallel_loop3A_409 = arith.cmpi ne, %parallel_loop3A_407, %parallel_loop3A_408 : i32
        %parallel_loop3A_410 = arith.andi %parallel_loop3A_406, %parallel_loop3A_409 : i1
        %parallel_loop3A_411 = arith.constant 1 : i32
        %parallel_loop3A_412 = arith.subi %parallel_loop3A_391, %parallel_loop3A_411 : i32
        %parallel_loop3A_413 = arith.select %parallel_loop3A_410, %parallel_loop3A_412, %parallel_loop3A_391 : i32
        %parallel_loop3A_414 = arith.constant 32 : i32
        %parallel_loop3A_415 = arith.constant 0 : i32
        %parallel_loop3A_416 = arith.cmpi eq, %parallel_loop3A_414, %parallel_loop3A_415 : i32
        %parallel_loop3A_417 = arith.constant 1 : i32
        %parallel_loop3A_418 = arith.select %parallel_loop3A_416, %parallel_loop3A_417, %parallel_loop3A_414 : i32
        %parallel_loop3A_419 = arith.remsi %parallel_loop3A_389, %parallel_loop3A_418 : i32
        %parallel_loop3A_420 = arith.constant 0 : i32
        %parallel_loop3A_421 = arith.cmpi ne, %parallel_loop3A_419, %parallel_loop3A_420 : i32
        %parallel_loop3A_422 = arith.constant 0 : i32
        %parallel_loop3A_423 = arith.cmpi slt, %parallel_loop3A_419, %parallel_loop3A_422 : i32
        %parallel_loop3A_424 = arith.constant 0 : i32
        %parallel_loop3A_425 = arith.cmpi slt, %parallel_loop3A_418, %parallel_loop3A_424 : i32
        %parallel_loop3A_426 = arith.xori %parallel_loop3A_423, %parallel_loop3A_425 : i1
        %parallel_loop3A_427 = arith.andi %parallel_loop3A_426, %parallel_loop3A_421 : i1
        %parallel_loop3A_428 = arith.addi %parallel_loop3A_419, %parallel_loop3A_418 : i32
        %parallel_loop3A_429 = arith.select %parallel_loop3A_427, %parallel_loop3A_428, %parallel_loop3A_419 : i32
        %parallel_loop3A_430 = arith.constant 16 : i32
        %parallel_loop3A_431 = arith.muli %parallel_loop3A_429, %parallel_loop3A_430 : i32
        %parallel_loop3A_432 = arith.index_cast %rem3A_226 : i32 to index
        %parallel_loop3A_433 = arith.index_cast %parallel_loop3A_413 : i32 to index
        %parallel_loop3A_434 = arith.index_cast %parallel_loop3A_431 : i32 to index
        %parallel_loop3A_435 = tpu.vector_load %arg6[%parallel_loop3A_432, %parallel_loop3A_433, %parallel_loop3A_434] {strides = array<i32>} : memref<3x32x512xf32, #tpu.memory_space<vmem>>, vector<1x1x16xf32>,
        %parallel_loop3A_436 = vector.shape_cast %parallel_loop3A_435 : vector<1x1x16xf32> to vector<16xf32>
        %parallel_loop3A_437 = arith.index_cast %rem3A_226 : i32 to index
        %parallel_loop3A_438 = arith.index_cast %parallel_loop3A_413 : i32 to index
        %parallel_loop3A_439 = arith.index_cast %parallel_loop3A_431 : i32 to index
        %parallel_loop3A_440 = tpu.vector_load %arg7[%parallel_loop3A_437, %parallel_loop3A_438, %parallel_loop3A_439] {strides = array<i32>} : memref<3x32x512xf32, #tpu.memory_space<vmem>>, vector<1x1x16xf32>,
        %parallel_loop3A_441 = vector.shape_cast %parallel_loop3A_440 : vector<1x1x16xf32> to vector<16xf32>
        %parallel_loop3A_442 = arith.mulf %select_n3A_301, %parallel_loop3A_436 : vector<16xf32>
        %parallel_loop3A_443 = arith.mulf %select_n3A_302, %parallel_loop3A_441 : vector<16xf32>
        %parallel_loop3A_444 = arith.addf %parallel_loop3A_442, %parallel_loop3A_443 : vector<16xf32>
        %parallel_loop3A_445 = arith.index_cast %rem3A_226 : i32 to index
        %parallel_loop3A_446 = arith.index_cast %parallel_loop3A_413 : i32 to index
        %parallel_loop3A_447 = arith.index_cast %parallel_loop3A_431 : i32 to index
        %parallel_loop3A_448 = tpu.vector_load %arg6[%parallel_loop3A_445, %parallel_loop3A_446, %parallel_loop3A_447] {strides = array<i32>} : memref<3x32x512xf32, #tpu.memory_space<vmem>>, vector<1x1x16xf32>,
        %parallel_loop3A_449 = vector.shape_cast %parallel_loop3A_448 : vector<1x1x16xf32> to vector<16xf32>
        %parallel_loop3A_450 = vector.shape_cast %parallel_loop3A_444 : vector<16xf32> to vector<1x1x16xf32>
        tpu.vector_store %arg6[%parallel_loop3A_445, %parallel_loop3A_446, %parallel_loop3A_447], %parallel_loop3A_450 {strides = array<i32>} : memref<3x32x512xf32, #tpu.memory_space<vmem>>, vector<1x1x16xf32>,
      } {sc.loop_unroll_factor = 8 : i64, sc.parallel_access}
      %dma_start3A_305 = arith.constant 0 : i32
      %dma_start3A_306 = arith.constant 0 : i32
      %dma_start3A_307 = arith.constant 0 : i32
      %dma_start3A_308 = tpu.memref_slice %arg6[%rem3A_226, %dma_start3A_306, %dma_start3A_307] : memref<3x32x512xf32, #tpu.memory_space<vmem>> -> memref<1x32x512xf32, #tpu.memory_space<vmem>>
      %dma_start3A_309 = tpu.memref_squeeze %dma_start3A_308 : memref<1x32x512xf32, #tpu.memory_space<vmem>> -> memref<32x512xf32, #tpu.memory_space<vmem>>
      %dma_start3A_310 = arith.constant 0 : i32
      %dma_start3A_311 = tpu.memref_slice %arg4[%add3A_248, %dma_start3A_305, %mul3A_265, %dma_start3A_310] : memref<64x1x512x512xf32, #tpu.memory_space<hbm>> -> memref<1x1x32x512xf32, #tpu.memory_space<hbm>>
      %dma_start3A_312 = tpu.memref_squeeze %dma_start3A_311 : memref<1x1x32x512xf32, #tpu.memory_space<hbm>> -> memref<32x512xf32, #tpu.memory_space<hbm>>
      %dma_start3A_313 = tpu.memref_slice %arg9[%rem3A_226] : memref<3x!tpu.dma_semaphore, #tpu.memory_space<semaphore_mem>> -> memref<1x!tpu.dma_semaphore, #tpu.memory_space<semaphore_mem>>
      %dma_start3A_314 = tpu.memref_squeeze %dma_start3A_313 : memref<1x!tpu.dma_semaphore, #tpu.memory_space<semaphore_mem>> -> memref<!tpu.dma_semaphore, #tpu.memory_space<semaphore_mem>>
      %dma_start3A_315 = arith.constant 0 : i32
      %dma_start3A_316 = tpu.memref_slice %arg4[%add3A_248, %dma_start3A_305, %mul3A_265, %dma_start3A_315] : memref<64x1x512x512xf32, #tpu.memory_space<hbm>> -> memref<1x1x32x512xf32, #tpu.memory_space<hbm>>
      %dma_start3A_317 = tpu.memref_squeeze %dma_start3A_316 : memref<1x1x32x512xf32, #tpu.memory_space<hbm>> -> memref<32x512xf32, #tpu.memory_space<hbm>>
      %dma_start3A_318 = arith.constant 0 : i32
      %dma_start3A_319 = arith.constant 0 : i32
      %dma_start3A_320 = tpu.memref_slice %arg6[%rem3A_226, %dma_start3A_318, %dma_start3A_319] : memref<3x32x512xf32, #tpu.memory_space<vmem>> -> memref<1x32x512xf32, #tpu.memory_space<vmem>>
      %dma_start3A_321 = tpu.memref_squeeze %dma_start3A_320 : memref<1x32x512xf32, #tpu.memory_space<vmem>> -> memref<32x512xf32, #tpu.memory_space<vmem>>
      tpu.enqueue_dma source(%dma_start3A_321 : memref<32x512xf32, #tpu.memory_space<vmem>>) target(%dma_start3A_317 : memref<32x512xf32, #tpu.memory_space<hbm>>) target_semaphore(%dma_start3A_314 : memref<!tpu.dma_semaphore, #tpu.memory_space<semaphore_mem>>)
      %add3A_322 = arith.constant 2 : i32
      %add3A_323 = arith.addi %scan3A_225, %add3A_322 : i32
      %rem3A_324 = arith.constant 3 : i32
      %rem3A_325 = arith.remsi %add3A_323, %rem3A_324 : i32
      %add3A_326 = arith.constant 2 : i32
      %add3A_327 = arith.addi %scan3A_225, %add3A_326 : i32
      %min3A = arith.constant 31 : i32
      %min3A_328 = arith.minsi %add3A_327, %min3A : i32
      %mul3A_329 = arith.constant 2 : i32
      %mul3A_330 = arith.muli %add3A, %mul3A_329 : i32
      %jit3A_331 = arith.constant 16 : i32
      %div3A_332 = arith.divsi %min3A_328, %jit3A_331 : i32
      %sign3A_333 = arith.constant 0 : i32
      %sign3A_334 = arith.cmpi sgt, %min3A_328, %sign3A_333 : i32
      %sign3A_335 = arith.extui %sign3A_334 : i1 to i32
      %sign3A_336 = arith.constant 0 : i32
      %sign3A_337 = arith.cmpi slt, %min3A_328, %sign3A_336 : i32
      %sign3A_338 = arith.extui %sign3A_337 : i1 to i32
      %sign3A_339 = arith.subi %sign3A_335, %sign3A_338 : i32
      %sign3A_340 = arith.constant 0 : i32
      %sign3A_341 = arith.cmpi sgt, %jit3A_331, %sign3A_340 : i32
      %sign3A_342 = arith.extui %sign3A_341 : i1 to i32
      %sign3A_343 = arith.constant 0 : i32
      %sign3A_344 = arith.cmpi slt, %jit3A_331, %sign3A_343 : i32
      %sign3A_345 = arith.extui %sign3A_344 : i1 to i32
      %sign3A_346 = arith.subi %sign3A_342, %sign3A_345 : i32
      %ne3A_347 = arith.cmpi ne, %sign3A_339, %sign3A_346 : i32
      %rem3A_348 = arith.remsi %min3A_328, %jit3A_331 : i32
      %ne3A_349 = arith.constant 0 : i32
      %ne3A_350 = arith.cmpi ne, %rem3A_348, %ne3A_349 : i32
      %and3A_351 = arith.andi %ne3A_347, %ne3A_350 : i1
      %sub3A_352 = arith.constant 1 : i32
      %sub3A_353 = arith.subi %div3A_332, %sub3A_352 : i32
      %select_n3A_354 = arith.select %and3A_351, %sub3A_353, %div3A_332 : i32
      %add3A_355 = arith.addi %mul3A_330, %select_n3A_354 : i32
      %jit3A_356 = arith.constant 16 : i32
      %eq3A_357 = arith.constant 0 : i32
      %eq3A_358 = arith.cmpi eq, %jit3A_356, %eq3A_357 : i32
      %jit3A_359 = arith.constant 1 : i32
      %select_n3A_360 = arith.select %eq3A_358, %jit3A_359, %jit3A_356 : i32
      %rem3A_361 = arith.remsi %min3A_328, %select_n3A_360 : i32
      %ne3A_362 = arith.constant 0 : i32
      %ne3A_363 = arith.cmpi ne, %rem3A_361, %ne3A_362 : i32
      %lt3A_364 = arith.constant 0 : i32
      %lt3A_365 = arith.cmpi slt, %rem3A_361, %lt3A_364 : i32
      %lt3A_366 = arith.constant 0 : i32
      %lt3A_367 = arith.cmpi slt, %select_n3A_360, %lt3A_366 : i32
      %ne3A_368 = arith.xori %lt3A_365, %lt3A_367 : i1
      %and3A_369 = arith.andi %ne3A_368, %ne3A_363 : i1
      %add3A_370 = arith.addi %rem3A_361, %select_n3A_360 : i32
      %select_n3A_371 = arith.select %and3A_369, %add3A_370, %rem3A_361 : i32
      %mul3A_372 = arith.constant 32 : i32
      %mul3A_373 = arith.muli %select_n3A_371, %mul3A_372 : i32
      %ge3A_374 = arith.constant 1 : i32
      %ge3A_375 = arith.cmpi sge, %scan3A_225, %ge3A_374 : i32
      %add3A_376 = arith.constant 2 : i32
      %add3A_377 = arith.addi %scan3A_225, %add3A_376 : i32
      %lt3A_378 = arith.constant 32 : i32
      %lt3A_379 = arith.cmpi slt, %add3A_377, %lt3A_378 : i32
      %and3A_380 = arith.andi %ge3A_375, %lt3A_379 : i1
      %convert_element_type3A = arith.extui %and3A_380 : i1 to i32
      %cond3A = arith.constant 0 : i32
      %cond3A_381 = arith.cmpi ne, %convert_element_type3A, %cond3A : i32
      scf.if %cond3A_381 {
        %dma_wait3A_389 = arith.constant 0 : i32
        %dma_wait3A_390 = arith.constant 0 : i32
        %dma_wait3A_391 = arith.constant 0 : i32
        %dma_wait3A_392 = tpu.memref_slice %arg6[%rem3A_325, %dma_wait3A_390, %dma_wait3A_391] : memref<3x32x512xf32, #tpu.memory_space<vmem>> -> memref<1x32x512xf32, #tpu.memory_space<vmem>>
        %dma_wait3A_393 = tpu.memref_squeeze %dma_wait3A_392 : memref<1x32x512xf32, #tpu.memory_space<vmem>> -> memref<32x512xf32, #tpu.memory_space<vmem>>
        %dma_wait3A_394 = arith.constant 0 : i32
        %dma_wait3A_395 = tpu.memref_slice %arg4[%add3A_355, %dma_wait3A_389, %mul3A_373, %dma_wait3A_394] : memref<64x1x512x512xf32, #tpu.memory_space<hbm>> -> memref<1x1x32x512xf32, #tpu.memory_space<hbm>>
        %dma_wait3A_396 = tpu.memref_squeeze %dma_wait3A_395 : memref<1x1x32x512xf32, #tpu.memory_space<hbm>> -> memref<32x512xf32, #tpu.memory_space<hbm>>
        %dma_wait3A_397 = tpu.memref_slice %arg9[%rem3A_325] : memref<3x!tpu.dma_semaphore, #tpu.memory_space<semaphore_mem>> -> memref<1x!tpu.dma_semaphore, #tpu.memory_space<semaphore_mem>>
        %dma_wait3A_398 = tpu.memref_squeeze %dma_wait3A_397 : memref<1x!tpu.dma_semaphore, #tpu.memory_space<semaphore_mem>> -> memref<!tpu.dma_semaphore, #tpu.memory_space<semaphore_mem>>
        %dma_wait3A_399 = arith.constant 0 : i32
        %dma_wait3A_400 = tpu.memref_slice %arg4[%add3A_355, %dma_wait3A_389, %mul3A_373, %dma_wait3A_399] : memref<64x1x512x512xf32, #tpu.memory_space<hbm>> -> memref<1x1x32x512xf32, #tpu.memory_space<hbm>>
        %dma_wait3A_401 = tpu.memref_squeeze %dma_wait3A_400 : memref<1x1x32x512xf32, #tpu.memory_space<hbm>> -> memref<32x512xf32, #tpu.memory_space<hbm>>
        %dma_wait3A_402 = arith.constant 0 : i32
        %dma_wait3A_403 = arith.constant 0 : i32
        %dma_wait3A_404 = tpu.memref_slice %arg6[%rem3A_325, %dma_wait3A_402, %dma_wait3A_403] : memref<3x32x512xf32, #tpu.memory_space<vmem>> -> memref<1x32x512xf32, #tpu.memory_space<vmem>>
        %dma_wait3A_405 = tpu.memref_squeeze %dma_wait3A_404 : memref<1x32x512xf32, #tpu.memory_space<vmem>> -> memref<32x512xf32, #tpu.memory_space<vmem>>
        tpu.wait_dma2 semaphore(%dma_wait3A_398 : memref<!tpu.dma_semaphore, #tpu.memory_space<semaphore_mem>>) src(%dma_wait3A_405 : memref<32x512xf32, #tpu.memory_space<vmem>>) dst(%dma_wait3A_401 : memref<32x512xf32, #tpu.memory_space<hbm>>)
      } else {
      }
      %add3A_382 = arith.constant 2 : i32
      %add3A_383 = arith.addi %scan3A_225, %add3A_382 : i32
      %lt3A_384 = arith.constant 32 : i32
      %lt3A_385 = arith.cmpi slt, %add3A_383, %lt3A_384 : i32
      %convert_element_type3A_386 = arith.extui %lt3A_385 : i1 to i32
      %cond3A_387 = arith.constant 0 : i32
      %cond3A_388 = arith.cmpi ne, %convert_element_type3A_386, %cond3A_387 : i32
      scf.if %cond3A_388 {
        %dma_start3A_389 = arith.constant 0 : i32
        %dma_start3A_390 = arith.constant 0 : i32
        %dma_start3A_391 = arith.constant 0 : i32
        %dma_start3A_392 = tpu.memref_slice %arg6[%rem3A_325, %dma_start3A_390, %dma_start3A_391] : memref<3x32x512xf32, #tpu.memory_space<vmem>> -> memref<1x32x512xf32, #tpu.memory_space<vmem>>
        %dma_start3A_393 = tpu.memref_squeeze %dma_start3A_392 : memref<1x32x512xf32, #tpu.memory_space<vmem>> -> memref<32x512xf32, #tpu.memory_space<vmem>>
        %dma_start3A_394 = arith.constant 0 : i32
        %dma_start3A_395 = tpu.memref_slice %arg2[%add3A_355, %dma_start3A_389, %mul3A_373, %dma_start3A_394] : memref<64x2x512x512xf32, #tpu.memory_space<hbm>> -> memref<1x1x32x512xf32, #tpu.memory_space<hbm>>
        %dma_start3A_396 = tpu.memref_squeeze %dma_start3A_395 : memref<1x1x32x512xf32, #tpu.memory_space<hbm>> -> memref<32x512xf32, #tpu.memory_space<hbm>>
        %dma_start3A_397 = tpu.memref_slice %arg8[%rem3A_325] : memref<3x!tpu.dma_semaphore, #tpu.memory_space<semaphore_mem>> -> memref<1x!tpu.dma_semaphore, #tpu.memory_space<semaphore_mem>>
        %dma_start3A_398 = tpu.memref_squeeze %dma_start3A_397 : memref<1x!tpu.dma_semaphore, #tpu.memory_space<semaphore_mem>> -> memref<!tpu.dma_semaphore, #tpu.memory_space<semaphore_mem>>
        %dma_start3A_399 = arith.constant 0 : i32
        %dma_start3A_400 = arith.constant 0 : i32
        %dma_start3A_401 = tpu.memref_slice %arg6[%rem3A_325, %dma_start3A_399, %dma_start3A_400] : memref<3x32x512xf32, #tpu.memory_space<vmem>> -> memref<1x32x512xf32, #tpu.memory_space<vmem>>
        %dma_start3A_402 = tpu.memref_squeeze %dma_start3A_401 : memref<1x32x512xf32, #tpu.memory_space<vmem>> -> memref<32x512xf32, #tpu.memory_space<vmem>>
        %dma_start3A_403 = arith.constant 0 : i32
        %dma_start3A_404 = tpu.memref_slice %arg2[%add3A_355, %dma_start3A_389, %mul3A_373, %dma_start3A_403] : memref<64x2x512x512xf32, #tpu.memory_space<hbm>> -> memref<1x1x32x512xf32, #tpu.memory_space<hbm>>
        %dma_start3A_405 = tpu.memref_squeeze %dma_start3A_404 : memref<1x1x32x512xf32, #tpu.memory_space<hbm>> -> memref<32x512xf32, #tpu.memory_space<hbm>>
        tpu.enqueue_dma source(%dma_start3A_405 : memref<32x512xf32, #tpu.memory_space<hbm>>) target(%dma_start3A_402 : memref<32x512xf32, #tpu.memory_space<vmem>>) target_semaphore(%dma_start3A_398 : memref<!tpu.dma_semaphore, #tpu.memory_space<semaphore_mem>>)
        %dma_start3A_406 = arith.constant 1 : i32
        %dma_start3A_407 = arith.constant 0 : i32
        %dma_start3A_408 = arith.constant 0 : i32
        %dma_start3A_409 = tpu.memref_slice %arg7[%rem3A_325, %dma_start3A_407, %dma_start3A_408] : memref<3x32x512xf32, #tpu.memory_space<vmem>> -> memref<1x32x512xf32, #tpu.memory_space<vmem>>
        %dma_start3A_410 = tpu.memref_squeeze %dma_start3A_409 : memref<1x32x512xf32, #tpu.memory_space<vmem>> -> memref<32x512xf32, #tpu.memory_space<vmem>>
        %dma_start3A_411 = arith.constant 0 : i32
        %dma_start3A_412 = tpu.memref_slice %arg2[%add3A_355, %dma_start3A_406, %mul3A_373, %dma_start3A_411] : memref<64x2x512x512xf32, #tpu.memory_space<hbm>> -> memref<1x1x32x512xf32, #tpu.memory_space<hbm>>
        %dma_start3A_413 = tpu.memref_squeeze %dma_start3A_412 : memref<1x1x32x512xf32, #tpu.memory_space<hbm>> -> memref<32x512xf32, #tpu.memory_space<hbm>>
        %dma_start3A_414 = tpu.memref_slice %arg8[%rem3A_325] : memref<3x!tpu.dma_semaphore, #tpu.memory_space<semaphore_mem>> -> memref<1x!tpu.dma_semaphore, #tpu.memory_space<semaphore_mem>>
        %dma_start3A_415 = tpu.memref_squeeze %dma_start3A_414 : memref<1x!tpu.dma_semaphore, #tpu.memory_space<semaphore_mem>> -> memref<!tpu.dma_semaphore, #tpu.memory_space<semaphore_mem>>
        %dma_start3A_416 = arith.constant 0 : i32
        %dma_start3A_417 = arith.constant 0 : i32
        %dma_start3A_418 = tpu.memref_slice %arg7[%rem3A_325, %dma_start3A_416, %dma_start3A_417] : memref<3x32x512xf32, #tpu.memory_space<vmem>> -> memref<1x32x512xf32, #tpu.memory_space<vmem>>
        %dma_start3A_419 = tpu.memref_squeeze %dma_start3A_418 : memref<1x32x512xf32, #tpu.memory_space<vmem>> -> memref<32x512xf32, #tpu.memory_space<vmem>>
        %dma_start3A_420 = arith.constant 0 : i32
        %dma_start3A_421 = tpu.memref_slice %arg2[%add3A_355, %dma_start3A_406, %mul3A_373, %dma_start3A_420] : memref<64x2x512x512xf32, #tpu.memory_space<hbm>> -> memref<1x1x32x512xf32, #tpu.memory_space<hbm>>
        %dma_start3A_422 = tpu.memref_squeeze %dma_start3A_421 : memref<1x1x32x512xf32, #tpu.memory_space<hbm>> -> memref<32x512xf32, #tpu.memory_space<hbm>>
        tpu.enqueue_dma source(%dma_start3A_422 : memref<32x512xf32, #tpu.memory_space<hbm>>) target(%dma_start3A_419 : memref<32x512xf32, #tpu.memory_space<vmem>>) target_semaphore(%dma_start3A_415 : memref<!tpu.dma_semaphore, #tpu.memory_space<semaphore_mem>>)
      } else {
      }
    }
    %scan3A_158 = arith.constant 32 : i32
    %mul3A_159 = arith.constant 2 : i32
    %mul3A_160 = arith.muli %add3A, %mul3A_159 : i32
    %add3A_161 = arith.constant 0 : i32
    %add3A_162 = arith.addi %mul3A_160, %add3A_161 : i32
    %dma_wait3A = arith.constant 0 : i32
    %dma_wait3A_163 = arith.constant 0 : i32
    %dma_wait3A_164 = arith.constant 0 : i32
    %dma_wait3A_165 = arith.constant 0 : i32
    %dma_wait3A_166 = arith.constant 0 : i32
    %dma_wait3A_167 = tpu.memref_slice %arg6[%dma_wait3A, %dma_wait3A_165, %dma_wait3A_166] : memref<3x32x512xf32, #tpu.memory_space<vmem>> -> memref<1x32x512xf32, #tpu.memory_space<vmem>>
    %dma_wait3A_168 = tpu.memref_squeeze %dma_wait3A_167 : memref<1x32x512xf32, #tpu.memory_space<vmem>> -> memref<32x512xf32, #tpu.memory_space<vmem>>
    %dma_wait3A_169 = arith.constant 0 : i32
    %dma_wait3A_170 = arith.constant 0 : i32
    %dma_wait3A_171 = tpu.memref_slice %arg4[%add3A_162, %dma_wait3A_163, %dma_wait3A_169, %dma_wait3A_170] : memref<64x1x512x512xf32, #tpu.memory_space<hbm>> -> memref<1x1x32x512xf32, #tpu.memory_space<hbm>>
    %dma_wait3A_172 = tpu.memref_squeeze %dma_wait3A_171 : memref<1x1x32x512xf32, #tpu.memory_space<hbm>> -> memref<32x512xf32, #tpu.memory_space<hbm>>
    %dma_wait3A_173 = tpu.memref_slice %arg9[%dma_wait3A_164] : memref<3x!tpu.dma_semaphore, #tpu.memory_space<semaphore_mem>> -> memref<1x!tpu.dma_semaphore, #tpu.memory_space<semaphore_mem>>
    %dma_wait3A_174 = tpu.memref_squeeze %dma_wait3A_173 : memref<1x!tpu.dma_semaphore, #tpu.memory_space<semaphore_mem>> -> memref<!tpu.dma_semaphore, #tpu.memory_space<semaphore_mem>>
    %dma_wait3A_175 = arith.constant 0 : i32
    %dma_wait3A_176 = arith.constant 0 : i32
    %dma_wait3A_177 = tpu.memref_slice %arg4[%add3A_162, %dma_wait3A_163, %dma_wait3A_175, %dma_wait3A_176] : memref<64x1x512x512xf32, #tpu.memory_space<hbm>> -> memref<1x1x32x512xf32, #tpu.memory_space<hbm>>
    %dma_wait3A_178 = tpu.memref_squeeze %dma_wait3A_177 : memref<1x1x32x512xf32, #tpu.memory_space<hbm>> -> memref<32x512xf32, #tpu.memory_space<hbm>>
    %dma_wait3A_179 = arith.constant 0 : i32
    %dma_wait3A_180 = arith.constant 0 : i32
    %dma_wait3A_181 = tpu.memref_slice %arg6[%dma_wait3A, %dma_wait3A_179, %dma_wait3A_180] : memref<3x32x512xf32, #tpu.memory_space<vmem>> -> memref<1x32x512xf32, #tpu.memory_space<vmem>>
    %dma_wait3A_182 = tpu.memref_squeeze %dma_wait3A_181 : memref<1x32x512xf32, #tpu.memory_space<vmem>> -> memref<32x512xf32, #tpu.memory_space<vmem>>
    tpu.wait_dma2 semaphore(%dma_wait3A_174 : memref<!tpu.dma_semaphore, #tpu.memory_space<semaphore_mem>>) src(%dma_wait3A_182 : memref<32x512xf32, #tpu.memory_space<vmem>>) dst(%dma_wait3A_178 : memref<32x512xf32, #tpu.memory_space<hbm>>)
    %dma_wait3A_183 = arith.constant 1 : i32
    %dma_wait3A_184 = arith.constant 0 : i32
    %dma_wait3A_185 = arith.constant 1 : i32
    %dma_wait3A_186 = arith.constant 0 : i32
    %dma_wait3A_187 = arith.constant 0 : i32
    %dma_wait3A_188 = tpu.memref_slice %arg6[%dma_wait3A_183, %dma_wait3A_186, %dma_wait3A_187] : memref<3x32x512xf32, #tpu.memory_space<vmem>> -> memref<1x32x512xf32, #tpu.memory_space<vmem>>
    %dma_wait3A_189 = tpu.memref_squeeze %dma_wait3A_188 : memref<1x32x512xf32, #tpu.memory_space<vmem>> -> memref<32x512xf32, #tpu.memory_space<vmem>>
    %dma_wait3A_190 = arith.constant 0 : i32
    %dma_wait3A_191 = arith.constant 0 : i32
    %dma_wait3A_192 = tpu.memref_slice %arg4[%add3A_162, %dma_wait3A_184, %dma_wait3A_190, %dma_wait3A_191] : memref<64x1x512x512xf32, #tpu.memory_space<hbm>> -> memref<1x1x32x512xf32, #tpu.memory_space<hbm>>
    %dma_wait3A_193 = tpu.memref_squeeze %dma_wait3A_192 : memref<1x1x32x512xf32, #tpu.memory_space<hbm>> -> memref<32x512xf32, #tpu.memory_space<hbm>>
    %dma_wait3A_194 = tpu.memref_slice %arg9[%dma_wait3A_185] : memref<3x!tpu.dma_semaphore, #tpu.memory_space<semaphore_mem>> -> memref<1x!tpu.dma_semaphore, #tpu.memory_space<semaphore_mem>>
    %dma_wait3A_195 = tpu.memref_squeeze %dma_wait3A_194 : memref<1x!tpu.dma_semaphore, #tpu.memory_space<semaphore_mem>> -> memref<!tpu.dma_semaphore, #tpu.memory_space<semaphore_mem>>
    %dma_wait3A_196 = arith.constant 0 : i32
    %dma_wait3A_197 = arith.constant 0 : i32
    %dma_wait3A_198 = tpu.memref_slice %arg4[%add3A_162, %dma_wait3A_184, %dma_wait3A_196, %dma_wait3A_197] : memref<64x1x512x512xf32, #tpu.memory_space<hbm>> -> memref<1x1x32x512xf32, #tpu.memory_space<hbm>>
    %dma_wait3A_199 = tpu.memref_squeeze %dma_wait3A_198 : memref<1x1x32x512xf32, #tpu.memory_space<hbm>> -> memref<32x512xf32, #tpu.memory_space<hbm>>
    %dma_wait3A_200 = arith.constant 0 : i32
    %dma_wait3A_201 = arith.constant 0 : i32
    %dma_wait3A_202 = tpu.memref_slice %arg6[%dma_wait3A_183, %dma_wait3A_200, %dma_wait3A_201] : memref<3x32x512xf32, #tpu.memory_space<vmem>> -> memref<1x32x512xf32, #tpu.memory_space<vmem>>
    %dma_wait3A_203 = tpu.memref_squeeze %dma_wait3A_202 : memref<1x32x512xf32, #tpu.memory_space<vmem>> -> memref<32x512xf32, #tpu.memory_space<vmem>>
    tpu.wait_dma2 semaphore(%dma_wait3A_195 : memref<!tpu.dma_semaphore, #tpu.memory_space<semaphore_mem>>) src(%dma_wait3A_203 : memref<32x512xf32, #tpu.memory_space<vmem>>) dst(%dma_wait3A_199 : memref<32x512xf32, #tpu.memory_space<hbm>>)
    %dma_wait3A_204 = arith.constant 2 : i32
    %dma_wait3A_205 = arith.constant 0 : i32
    %dma_wait3A_206 = arith.constant 2 : i32
    %dma_wait3A_207 = arith.constant 0 : i32
    %dma_wait3A_208 = arith.constant 0 : i32
    %dma_wait3A_209 = tpu.memref_slice %arg6[%dma_wait3A_204, %dma_wait3A_207, %dma_wait3A_208] : memref<3x32x512xf32, #tpu.memory_space<vmem>> -> memref<1x32x512xf32, #tpu.memory_space<vmem>>
    %dma_wait3A_210 = tpu.memref_squeeze %dma_wait3A_209 : memref<1x32x512xf32, #tpu.memory_space<vmem>> -> memref<32x512xf32, #tpu.memory_space<vmem>>
    %dma_wait3A_211 = arith.constant 0 : i32
    %dma_wait3A_212 = arith.constant 0 : i32
    %dma_wait3A_213 = tpu.memref_slice %arg4[%add3A_162, %dma_wait3A_205, %dma_wait3A_211, %dma_wait3A_212] : memref<64x1x512x512xf32, #tpu.memory_space<hbm>> -> memref<1x1x32x512xf32, #tpu.memory_space<hbm>>
    %dma_wait3A_214 = tpu.memref_squeeze %dma_wait3A_213 : memref<1x1x32x512xf32, #tpu.memory_space<hbm>> -> memref<32x512xf32, #tpu.memory_space<hbm>>
    %dma_wait3A_215 = tpu.memref_slice %arg9[%dma_wait3A_206] : memref<3x!tpu.dma_semaphore, #tpu.memory_space<semaphore_mem>> -> memref<1x!tpu.dma_semaphore, #tpu.memory_space<semaphore_mem>>
    %dma_wait3A_216 = tpu.memref_squeeze %dma_wait3A_215 : memref<1x!tpu.dma_semaphore, #tpu.memory_space<semaphore_mem>> -> memref<!tpu.dma_semaphore, #tpu.memory_space<semaphore_mem>>
    %dma_wait3A_217 = arith.constant 0 : i32
    %dma_wait3A_218 = arith.constant 0 : i32
    %dma_wait3A_219 = tpu.memref_slice %arg4[%add3A_162, %dma_wait3A_205, %dma_wait3A_217, %dma_wait3A_218] : memref<64x1x512x512xf32, #tpu.memory_space<hbm>> -> memref<1x1x32x512xf32, #tpu.memory_space<hbm>>
    %dma_wait3A_220 = tpu.memref_squeeze %dma_wait3A_219 : memref<1x1x32x512xf32, #tpu.memory_space<hbm>> -> memref<32x512xf32, #tpu.memory_space<hbm>>
    %dma_wait3A_221 = arith.constant 0 : i32
    %dma_wait3A_222 = arith.constant 0 : i32
    %dma_wait3A_223 = tpu.memref_slice %arg6[%dma_wait3A_204, %dma_wait3A_221, %dma_wait3A_222] : memref<3x32x512xf32, #tpu.memory_space<vmem>> -> memref<1x32x512xf32, #tpu.memory_space<vmem>>
    %dma_wait3A_224 = tpu.memref_squeeze %dma_wait3A_223 : memref<1x32x512xf32, #tpu.memory_space<vmem>> -> memref<32x512xf32, #tpu.memory_space<vmem>>
    tpu.wait_dma2 semaphore(%dma_wait3A_216 : memref<!tpu.dma_semaphore, #tpu.memory_space<semaphore_mem>>) src(%dma_wait3A_224 : memref<32x512xf32, #tpu.memory_space<vmem>>) dst(%dma_wait3A_220 : memref<32x512xf32, #tpu.memory_space<hbm>>)
    return
  }
}

</mosaic_0001>

<sc_bundles>
// kernel: kernel.3.cloned.1.call-start
scs
__scs_entry_jumppad:
0x0: {  	(pc) =	sbr.rel $0x88, $3  }
0x1: {  	(tag) =	ssettag $0x0;
	lr =	simm.s32 $0x1  }
0x2: {  	[smem:$0x3F9E] =	sst lr;
	_ =	strace $0xD0000000  }
0x3: {  	_ = 	snop  }
0x4: {  	_ = 	snop  }
0x5: {  	_ = 	snop  }
0x6: {  	_ = 	snop  }
0x7: {  	_ = 	snop  }
__scs_overlays_trampoline_lowered:
0x8: {  	[smem:$0x3FAD] =	sst s0  }
0x9: {  	[smem:$0x3FAE] =	sst s1  }
0xa: {  	[smem:$0x3FAF] =	sst s2  }
0xb: {  	[smem:$0x3FB0] =	sst s3  }
0xc: {  	[smem:$0x3FB1] =	sst s4  }
0xd: {  	[smem:$0x3FB2] =	sst s5  }
0xe: {  	[smem:$0x3FB3] =	sst s6  }
0xf: {  	[smem:$0x3FB4] =	sst s7  }
0x10: {  	[smem:$0x3FB5] =	sst s8  }
0x11: {  	[smem:$0x3FB6] =	sst s9;
	s0 =	simm.s32 @!p0 $0x0  }
0x12: {  	s1 =	sld [smem:$0x3F9C];
	s0 =	simm.s32 @p0 $0x1  }
0x13: {  	[smem:$0x3FB7] =	sst s0;
	s0 =	simm.s32 @!p1 $0x0  }
0x14: {  	s2 =	sld [smem:$0x3F9B];
	s0 =	simm.s32 @p1 $0x1  }
0x15: {  	[smem:$0x3FB8] =	sst s0;
	s0 =	simm.s32 @!p2 $0x0  }
0x16: {  	s3 =	sld [smem:$0x3FDB];
	s0 =	simm.s32 @p2 $0x1  }
0x17: {  	s4 =	simm.s32 $0x1BF5;
	[smem:$0x3FBA] =	sst s0  }
0x18: {  	s0 =	sld [smem:$0x3F9D];
	_ =	swait.ge [sflag:s4], $0x0  }
0x19: {  	s7 =	sld [smem:$0x3F9E]  }
0x1a: {  	s8 =	sadd.s32 $0xFFFFE003, lr  }
0x1b: {  	s9 =	sadd.s32 $0xFFFFFEF7, lr;
	s5 =	simm.s32 $0xFFFFFFFF;
	p2 =	slt.u32 s8, $0xFFFFF086  }
0x1c: {  	p1 =	slt.u32 s9, $0xF7A;
	s5 =	simm.s32 @!p2 $0x0  }
0x1d: {  	s5 =	simm.s32 @p1 $0x1;
	p0 =	seq.s32 s7, s2  }
0x1e: {  	s7 =	smul.u32 @!p0 $0xF7A, s2;
	p2 =	seq.s32 @!p0 s5, $0x0  }
0x1f: {  	s9 =	smul.u32 $0xF7A, s1;
	s8 =	simm.s32 @!p0 $0x1BF5;
	p2 =	por !p2, p0  }
0x20: {  	[sflag:s8] =	ssyncset.s32 @!p0 $0xFFFFF086;
	s6 =	sadd.s32 @!p0 s3, s7;
	s7 =	simm.s32 @!p0 $0x108  }
0x21: {  	s3 =	sadd.s32 s3, s9;
	s6 =	sadd.s32 @!p0 $0x88, s6;
	s7 =	simm.s32 @p2 $0x1082  }
0x22: {  	[simem:s7], [sflag:s8] =	dma.local @!p0 [hbm:s6], $0xF7A  }
0x23: {  	s9 =	sor.u32 $0xD0000000, s2;
	s6 =	simm.s32 $0x108;
	_ =	swait.ge @!p0 [sflag:s8], $0x0  }
0x24: {  	s3 =	sadd.s32 $0x88, s3;
	s6 =	simm.s32 @!p1 $0x1082;
	[sflag:s4] =	ssyncset.s32 $0xFFFFF086  }
0x25: {  	[simem:s6], [sflag:s4] =	dma.local [hbm:s3], $0xF7A  }
0x26: {  	[smem:$0x3F9E] =	sst s1;
	(tag) =	ssettag s2;
	_ =	strace s9  }
0x27: {  	s1 =	sld [smem:$0x3FAE]  }
0x28: {  	s2 =	sld [smem:$0x3FAF]  }
0x29: {  	s4 =	sld [smem:$0x3FB1]  }
0x2a: {  	p0 =	seq.s32 s5, $0x0;
	s5 =	sld [smem:$0x3FB2]  }
0x2b: {  	s6 =	sld [smem:$0x3FB3]  }
0x2c: {  	s7 =	sld [smem:$0x3FB4]  }
0x2d: {  	s3 =	simm.s32 $0x108;
	s8 =	sld [smem:$0x3FB5]  }
0x2e: {  	s3 =	simm.s32 @!p0 $0x1082;
	s9 =	sld [smem:$0x3FB6]  }
0x2f: {  	lr =	sadd.s32 s0, s3;
	s0 =	sld [smem:$0x3FAD]  }
0x30: {  	s3 =	sld [smem:$0x3FB0]  }
0x31: {  	[smem:$0x3FB9] =	sst s10  }
0x32: {  	s10 =	sld [smem:$0x3FB7];
	_ =	sdelay $0x3  }
0x33: {  	p0 =	seq.s32 s10, $0x1;
	s10 =	sld [smem:$0x3FB9];
	_ =	sdelay $0x3  }
0x34: {  	[smem:$0x3FB9] =	sst s10  }
0x35: {  	s10 =	sld [smem:$0x3FB8];
	_ =	sdelay $0x3  }
0x36: {  	p1 =	seq.s32 s10, $0x1;
	s10 =	sld [smem:$0x3FB9];
	_ =	sdelay $0x3  }
0x37: {  	[smem:$0x3FB9] =	sst s10  }
0x38: {  	s10 =	sld [smem:$0x3FBA]  }
0x39: {  	_ = 	snop;
	(pc) =	sbr.ind lr, $3  }
0x3a: {  	_ = 	snop  }
0x3b: {  	_ = 	snop  }
0x3c: {  	p2 =	seq.s32 s10, $0x1;
	s10 =	sld [smem:$0x3FB9]  }
0x3d: {  	_ =	shalt  }
0x3e: {  	_ =	shalt  }
0x3f: {  	_ =	shalt  }
0x40: {  	_ =	shalt  }
0x41: {  	_ =	shalt  }
0x42: {  	_ =	shalt  }
0x43: {  	_ =	shalt  }
0x44: {  	_ =	shalt  }
0x45: {  	_ =	shalt  }
0x46: {  	_ =	shalt  }
0x47: {  	_ =	shalt  }
0x48: {  	_ =	shalt  }
0x49: {  	_ =	shalt  }
0x4a: {  	_ =	shalt  }
0x4b: {  	_ =	shalt  }
0x4c: {  	_ =	shalt  }
0x4d: {  	_ =	shalt  }
0x4e: {  	_ =	shalt  }
0x4f: {  	_ =	shalt  }
0x50: {  	_ =	shalt  }
0x51: {  	_ =	shalt  }
0x52: {  	_ =	shalt  }
0x53: {  	_ =	shalt  }
0x54: {  	_ =	shalt  }
0x55: {  	_ =	shalt  }
0x56: {  	_ =	shalt  }
0x57: {  	_ =	shalt  }
0x58: {  	_ =	shalt  }
0x59: {  	_ =	shalt  }
0x5a: {  	_ =	shalt  }
0x5b: {  	_ =	shalt  }
0x5c: {  	_ =	shalt  }
0x5d: {  	_ =	shalt  }
0x5e: {  	_ =	shalt  }
0x5f: {  	_ =	shalt  }
0x60: {  	_ =	shalt  }
0x61: {  	_ =	shalt  }
0x62: {  	_ =	shalt  }
0x63: {  	_ =	shalt  }
0x64: {  	_ =	shalt  }
0x65: {  	_ =	shalt  }
0x66: {  	_ =	shalt  }
0x67: {  	_ =	shalt  }
0x68: {  	_ =	shalt  }
0x69: {  	_ =	shalt  }
0x6a: {  	_ =	shalt  }
0x6b: {  	_ =	shalt  }
0x6c: {  	_ =	shalt  }
0x6d: {  	_ =	shalt  }
0x6e: {  	_ =	shalt  }
0x6f: {  	_ =	shalt  }
0x70: {  	_ =	shalt  }
0x71: {  	_ =	shalt  }
0x72: {  	_ =	shalt  }
0x73: {  	_ =	shalt  }
0x74: {  	_ =	shalt  }
0x75: {  	_ =	shalt  }
0x76: {  	_ =	shalt  }
0x77: {  	_ =	shalt  }
0x78: {  	_ =	shalt  }
0x79: {  	_ =	shalt  }
0x7a: {  	_ =	shalt  }
0x7b: {  	_ =	shalt  }
0x7c: {  	_ =	shalt  }
0x7d: {  	_ =	shalt  }
0x7e: {  	_ =	shalt  }
0x7f: {  	_ =	shalt  }
0x80: {  	_ =	shalt  }
0x81: {  	_ =	shalt  }
0x82: {  	_ =	shalt  }
0x83: {  	_ =	shalt  }
0x84: {  	_ =	shalt  }
0x85: {  	_ =	shalt  }
0x86: {  	_ =	shalt  }
0x87: {  	_ =	shalt  }
.Lfunc_end0:
.L_simem_size_0:
called_computation_lowered:
.L_overlay_start_0:
0x88: {  	s2 =	sld [smem:$0x3FD9]  }
0x89: {  	s3 =	sld [smem:$0x3FFE];
	_ =	sdelay $0x1  }
0x8a: {  	s1 =	srdreg.scid  }
0x8b: {  	s0 =	sand.u32 $0x1, s1  }
0x8c: {  	s17 =	sshll.u32 s0, $0xA;
	s2 =	sadd.s32 s3, s2  }
0x8d: {  	s2 =	sadd.s32 s2, s17  }
0x8e: {  	[smem:$0x3FC5] =	sst s2  }
0x8f: {  	_ = 	snop  }
0x90: {  	s2 =	sld [smem:$0x3FC9]  }
0x91: {  	s18 =	sld [smem:$0x3FD0];
	(tm) =	ssettm $0x1  }
0x92: {  	s4 =	sld [smem:$0x3FFB];
	_ =	sdelay $0x3  }
0x93: {  	_ =	strace s4  }
0x94: {  	s4 =	sld [smem:$0x3FFC];
	_ =	sdelay $0x3  }
0x95: {  	_ =	strace s4  }
0x96: {  	s4 =	sld [smem:$0x3FFD];
	_ =	sdelay $0x3  }
0x97: {  	_ =	strace s4  }
0x98: {  	_ =	strace $0x8FFFFFFF  }
0x99: {  	s19 =	sld [smem:$0x3FDB];
	_ =	sdelay $0x1  }
0x9a: {  	s5 =	simm.s32 $_scs_section_size  }
0x9b: {  	s6 =	simm.s32 $_size__tile_overlayer_lowered;
	s7 =	simm.s32 $_tile_overlayer_lowered  }
0x9c: {  	s22 =	simm.s32 $0x1BFF;
	s21 =	sshll.u32 s7, $0x1;
	s4 =	sadd.s32 s5, s19  }
0x9d: {  	s8 =	simm.s32 $0x0;
	s20 =	sshll.u32 s6, $0x1;
	s6 =	sadd.s32 s21, s4  }
0x9e: {  	[timem:s8], [sflag:s22] =	dma.local [hbm:s6], s20  }
0x9f: {  	_ =	swait.ge [sflag:s22], s20  }
0xa0: {  	s5 =	ssub.s32 $0x0, s20;
	[sflag:s22] =	ssyncset.done $0x0  }
0xa1: {  	[sflag:s22] =	ssyncadd.s32 s5;
	_ =	sdelay $0x1  }
0xa2: {  	s23 =	simm.s32 $0x1B8B  }
0xa3: {  	_ =	swait.ge [sflag:s23], $0x1  }
0xa4: {  	[sflag:s23] =	ssyncset.done $0x0  }
0xa5: {  	s25 =	simm.s32 $0x1B8E;
	s24 =	sld [smem:$0x3FFE];
	[sflag:s23] =	ssyncadd.s32 $0xFFFFFFFF  }
0xa6: {  	s26 =	simm.s32 $execute0_lowered;
	[smem:$0x3FD2] =	sst s25  }
0xa7: {  	s6 =	sshll.u32 s26, $0x1;
	_ =	strace $0x80000046;
	[dreg:$0x1] =	wrdreg $0xFFFFFFFF  }
0xa8: {  	s28 =	simm.s32 $_size_execute0_lowered;
	s4 =	sadd.s32 s4, s6;
	[dreg:$0x0] =	wrdreg $0x0  }
0xa9: {  	s6 =	sshll.u32 s28, $0x1;
	[dreg:$0x2] =	wrdreg s4  }
0xaa: {  	[dreg:$0x3] =	wrdreg s6  }
0xab: {  	[dreg:$0x4] =	wrdreg $0xC0  }
0xac: {  	_ =	task [dreg:s8], $0x5FFFF  }
0xad: {  	[dreg:$0x1] =	wrdreg $0xFFFFFFFF  }
0xae: {  	[dreg:$0x0] =	wrdreg $0x60  }
0xaf: {  	[dreg:$0x2] =	wrdreg s2  }
0xb0: {  	[dreg:$0x3] =	wrdreg s24  }
0xb1: {  	[dreg:$0x4] =	wrdreg s18  }
0xb2: {  	[dreg:$0x5] =	wrdreg $0x9  }
0xb3: {  	_ =	task.clear_ibuf [dreg:s8], $0x6FFFF;
	_ =	strace $0x90000046  }
0xb4: {  	s29 =	simm.s32 $0x9;
	_ =	strace $0x80000048  }
0xb5: {  	_ =	swait.ge [sflag:s29], $0x1  }
0xb6: {  	[sflag:s29] =	ssyncadd.s32 $0xFFFFFFFF  }
0xb7: {  	_ =	strace $0x90000048  }
0xb8: {  	_ =	sfence  }
0xb9: {  	s30 =	sld [smem:$0x0];
	_ =	sdelay $0x2  }
0xba: {  	s31 =	sshll.u32 s1, $0xD;
	s1 =	sshrl.u32 s1, $0x2  }
0xbb: {  	s3 =	sand.u32 $0x4000, s31;
	s1 =	sadd.s32 s1, s30  }
0xbc: {  	s0 =	sor.u32 s3, s0;
	s1 =	sshll.u32 s1, $0x11  }
0xbd: {  	s0 =	sor.u32 s1, s0  }
0xbe: {  	s0 =	sadd.s32 $0x8F2B, s0  }
0xbf: {  	[sflag:s0] =	ssyncadd.remote.s32 $0x1  }
0xc0: {  	_ =	sfence.sel $0xFFFF  }
0xc1: {  	[dreg:$0x0] =	wrdreg $0xFFFFFFFF;
	(pc) =	sbr.abs _section_cstart, $3  }
0xc2: {  	[dreg:$0x1] =	wrdreg $0xFFFFFFFF  }
0xc3: {  	_ =	task.clear_ibuf [dreg:s8], $0x2FFFF;
	_ =	strace $0x9FFFFFFF  }
0xc4: {  	(tm) =	ssettm $0x7FFFFFFF  }
0xc5: {  	_ =	shalt  }
tec
execute0_lowered:
.L_overlay_start_1:
0x0: {  	(tag) =	ssettag $0x1  }
0x1: {  	s1 =	rddreg [dreg:$0x0]  }
0x2: {  	s5 =	rddreg [dreg:$0x1]  }
0x3: {  	s2 =	rddreg [dreg:$0x2];
	s4 =	simm.s32 $0x0  }
0x4: {  	s6 =	srdreg.scid;
	s3 =	stileid.u32;
	s14 =	simm.s32 $0x7  }
0x5: {  	s15 =	simm.s32 $0x4000;
	s16 =	simm.s32 $0x10000;
	s17 =	simm.s32 $0x8000  }
0x6: {  	s18 =	simm.s32 $0x14000;
	s19 =	simm.s32 $0x4;
	s20 =	simm.s32 $0x5  }
0x7: {  	s21 =	simm.s32 $0x6;
	s22 =	simm.s32 $0x0;
	[smem:$0x7FF] =	sst s4  }
0x8: {  	s6 =	sand.u32 $0x1, s6;
	s8 =	sshll.u32 s3, $0x2;
	s5 =	sadd.s32 $0x400, s5  }
.Ltmp0:
0x9: {  	s7 =	ssub.s32 $0x2, s6;
	s6 =	sshll.u32 s6, $0x1;
	(pc) =	sbr.rel .LBB2_1-.Ltmp0, $4  }
0xa: {  	_ =	strace $0x80000047;
	s9 =	sshrl.u32 s7, $0x1;
	s6 =	sor.u32 s6, s8  }
0xb: {  	s13 =	ssub.s32 s7, s9;
	s10 =	sshll.u32 s6, $0x10;
	s7 =	sadd.s32 $0x8000, s1  }
0xc: {  	s8 =	sshll.u32 s6, $0x7;
	s9 =	sadd.s32 s1, s10;
	s10 =	sadd.s32 s10, s7  }
0xd: {  	s13 =	smax.u32 s13, $0x1;
	s11 =	sadd.s32 $0x800, s9;
	s12 =	sadd.s32 $0x8800, s9  }
.LBB2_9:
0xe: {  	_ =	swait.ge [sflag:s19], $0x4000  }
0xf: {  	[sflag:s19] =	ssyncset.done $0x0  }
0x10: {  	s22 =	sadd.s32 $0x1, s22;
	[sflag:s19] =	ssyncadd.s32 $0xFFFFC000  }
0x11: {  	p0 =	sne.s32 s22, s13;
	_ =	swait.ge [sflag:s20], $0x4000  }
.Ltmp1:
0x12: {  	[sflag:s20] =	ssyncset.done $0x0;
	(pc) =	sbr.rel @!p0 .LBB2_10-.Ltmp1, $4  }
0x13: {  	[sflag:s20] =	ssyncadd.s32 $0xFFFFC000  }
0x14: {  	_ =	swait.ge [sflag:s21], $0x4000  }
0x15: {  	[sflag:s21] =	ssyncset.done $0x0  }
0x16: {  	[sflag:s21] =	ssyncadd.s32 $0xFFFFC000  }
.LBB2_1:
0x17: {  	[tilespmem:s4], [sflag:$0x7] =	stream.linear.gather [hbm4b:s5+s4], $0x4000, $0x38;
	[tilespmem:$0x1C000] =	vst v63  }
0x18: {  	_ =	swait.ge [sflag:s14], $0x4000  }
0x19: {  	[sflag:s14] =	ssyncset.done $0x0  }
0x1a: {  	[sflag:s14] =	ssyncadd.s32 $0xFFFFC000  }
0x1b: {  	v1 =	vld [tilespmem:s8+$0x0]  }
0x1c: {  	v0 =	vld [tilespmem:s8+$0x2000]  }
0x1d: {  	v3 =	vld [tilespmem:s8+$0x80]  }
0x1e: {  	v2 =	vld [tilespmem:s8+$0x2080]  }
0x1f: {  	[tilespmem:s15], [sflag:$0x1] =	stream.linear.gather [hbm4b:s9+s4], $0x4000, $0x38;
	[tilespmem:$0x1C000] =	vst v63  }
0x20: {  	_ = 	snop  }
0x21: {  	[tilespmem:s16], [sflag:$0x1] =	stream.linear.gather [hbm4b:s10+s4], $0x4000, $0x38;
	[tilespmem:$0x1C000] =	vst v63  }
.Ltmp2:
0x22: {  	v4 =	vsub.f32 $1.000000000e+00, v1;
	vm0 =	vlt.f32 v0, $0.0e+00;
	(pc) =	sbr.rel .LBB2_2-.Ltmp2, $4  }
0x23: {  	vm1 =	vgt.f32 v0, $0.0e+00;
	v5 =	vsub.f32 $1.000000000e+00, v3;
	vm14 =	vlt.f32 v2, $0.0e+00  }
0x24: {  	[tilespmem:s17], [sflag:$0x2] =	stream.linear.gather [hbm4b:s11+s4], $0x4000, $0x38;
	vm15 =	vgt.f32 v2, $0.0e+00;
	v0 =	vnsel vm0, $0x3F800000, v1;
	v6 =	vnsel vm14, $0x3F800000, v3;
	[tilespmem:$0x1C000] =	vst v63  }
0x25: {  	s23 =	simm.s32 $0x0;
	v0 =	vsel vm1, v4, v0;
	v4 =	vnsel vm0, $0x0, v4;
	v7 =	vnsel vm14, $0x0, v5  }
0x26: {  	[tilespmem:s18], [sflag:$0x2] =	stream.linear.gather [hbm4b:s12+s4], $0x4000, $0x38;
	v2 =	vsel vm15, v5, v6;
	v1 =	vsel vm1, v1, v4;
	v3 =	vsel vm15, v3, v7;
	[tilespmem:$0x1C000] =	vst v63  }
.LBB2_5:
0x27: {  	s0 =	sadd.s32 $0x4, s24  }
0x28: {  	_ =	swait.ge [sflag:s0], $0x4000  }
0x29: {  	[sflag:s0] =	ssyncset.done $0x0  }
0x2a: {  	[sflag:s0] =	ssyncadd.s32 $0xFFFFC000  }
.LBB2_7:
0x2b: {  	p0 =	slt.s32 s26, $0x1F  }
0x2c: {  	s26 =	simm.s32 @!p0 $0x1F  }
0x2d: {  	s0 =	sshrl.u32 s26, $0x4  }
0x2e: {  	s25 =	sshll.u32 s26, $0xB;
	s0 =	sor.u32 s6, s0  }
0x2f: {  	s25 =	sand.u32 $0x7800, s25;
	s0 =	sshll.u32 s0, $0x10  }
0x30: {  	s29 =	sshll.u32 s24, $0xE;
	s0 =	sor.u32 s25, s0  }
0x31: {  	s30 =	sadd.s32 $0x1, s24;
	s31 =	sadd.s32 $0x4000, s29;
	s28 =	sadd.s32 s1, s0  }
0x32: {  	[tilespmem:s31], [sflag:s30] =	stream.linear.gather [hbm4b:s28+s4], $0x4000, $0x38;
	[tilespmem:$0x1C000] =	vst v63  }
0x33: {  	s25 =	sadd.s32 $0x10000, s29;
	s0 =	sadd.s32 s0, s7  }
0x34: {  	[tilespmem:s25], [sflag:s30] =	stream.linear.gather [hbm4b:s0+s4], $0x4000, $0x38;
	[tilespmem:$0x1C000] =	vst v63  }
.LBB2_8:
0x35: {  	s23 =	sadd.s32 $0x1, s23  }
0x36: {  	p0 =	sne.s32 s23, $0x20  }
.Ltmp3:
0x37: {  	_ = 	snop;
	(pc) =	sbr.rel @!p0 .LBB2_9-.Ltmp3, $1  }
0x38: {  	_ =	sdelay $0x3  }
.LBB2_2:
0x39: {  	s24 =	smul.u32 $0xAB, s23;
	_ =	sdelay $0x1  }
0x3a: {  	s24 =	sshrl.u32 s24, $0x9  }
0x3b: {  	s24 =	sand.u32 $0x7F, s24  }
0x3c: {  	s24 =	smul.u32 $0x3, s24;
	_ =	sdelay $0x1  }
0x3d: {  	s24 =	ssub.s32 s23, s24  }
0x3e: {  	s24 =	sand.u32 $0xFF, s24  }
0x3f: {  	s25 =	sadd.s32 $0x1, s24  }
0x40: {  	s28 =	simm.s32 $0x0;
	_ =	swait.ge [sflag:s25], $0x4000  }
0x41: {  	s26 =	simm.s32 $0x0;
	s30 =	simm.s32 $0x0;
	[sflag:s25] =	ssyncset.done $0x0  }
0x42: {  	s26 =	sand.u32 $0x3000, s26;
	s29 =	sand.u32 $0xC00, s28;
	[sflag:s25] =	ssyncadd.s32 $0xFFFFC000  }
0x43: {  	s30 =	sand.u32 $0x380, s30;
	s29 =	sor.u32 s26, s29;
	_ =	swait.ge [sflag:s25], $0x4000  }
0x44: {  	s29 =	sor.u32 s30, s29;
	s26 =	sshll.u32 s24, $0xE;
	[sflag:s25] =	ssyncset.done $0x0  }
0x45: {  	[sflag:s25] =	ssyncadd.s32 $0xFFFFC000;
	s25 =	sor.u32 s26, s29  }
0x46: {  	v6 =	vld [tilespmem:s25+$0x4070]  }
0x47: {  	v8 =	vld [tilespmem:s25+$0x10070]  }
0x48: {  	v9 =	vld [tilespmem:s25+$0x4000]  }
0x49: {  	v11 =	vld [tilespmem:s25+$0x10000]  }
0x4a: {  	p0 =	sgt.u32 s23, $0xF;
	v15 =	vld [tilespmem:s25+$0x4010]  }
0x4b: {  	v4 =	vpsel p0, v2, v0;
	v5 =	vpsel p0, v3, v1;
	v10 =	vld [tilespmem:s25+$0x10010]  }
0x4c: {  	v7 =	vld [tilespmem:s25+$0x4020];
	v13 =	vmul.f32 v6, v4;
	v16 =	vmul.f32 v8, v5  }
0x4d: {  	v8 =	vld [tilespmem:s25+$0x10020]  }
0x4e: {  	v12 =	vmul.f32 v9, v4;
	v6 =	vld [tilespmem:s25+$0x4030];
	v14 =	vmul.f32 v11, v5;
	v13 =	vadd.f32 v16, v13  }
0x4f: {  	s29 =	simm.s32 $0x0;
	v11 =	vmul.f32 v15, v4;
	v9 =	vld [tilespmem:s25+$0x10030]  }
.LBB2_3:
0x50: {  	s29 =	sadd.s32 $0x8, s29;
	v12 =	vadd.f32 v14, v12;
	v10 =	vmul.f32 v10, v5;
	v14 =	vld [tilespmem:s25+$0x4040];
	[tilespmem:s25+$0x4070] =	vst v13  }
0x51: {  	s28 =	sadd.s32 $0x400, s28;
	s30 =	sshll.u32 s29, $0x4;
	p0 =	slt.u32 s29, $0x3F8;
	v7 =	vmul.f32 v7, v4;
	v13 =	vld [tilespmem:s25+$0x10040]  }
0x52: {  	s31 =	sand.u32 $0xC00, s28;
	s0 =	sshll.u32 s29, $0x2;
	s30 =	sand.u32 $0x3000, s30;
	[tilespmem:s25+$0x4000] =	vst v12;
	v10 =	vadd.f32 v10, v11;
	v8 =	vmul.f32 v8, v5;
	v11 =	vld [tilespmem:s25+$0x4050]  }
0x53: {  	s0 =	sand.u32 $0x380, s0;
	s30 =	sor.u32 s30, s31;
	v6 =	vmul.f32 v6, v4;
	v12 =	vld [tilespmem:s25+$0x10050]  }
0x54: {  	s0 =	sor.u32 s0, s30;
	[tilespmem:s25+$0x4010] =	vst v10;
	v7 =	vadd.f32 v8, v7;
	v8 =	vmul.f32 v9, v5;
	v9 =	vld [tilespmem:s25+$0x4060]  }
0x55: {  	s0 =	sor.u32 s26, s0;
	v10 =	vmul.f32 v14, v4;
	v14 =	vld [tilespmem:s25+$0x10060]  }
0x56: {  	v15 =	vld [tilespmem:s0+$0x4070];
	[tilespmem:s25+$0x4020] =	vst v7;
	v6 =	vadd.f32 v8, v6;
	v7 =	vmul.f32 v13, v5  }
0x57: {  	v8 =	vld [tilespmem:s0+$0x10070];
	v11 =	vmul.f32 v11, v4  }
0x58: {  	v13 =	vld [tilespmem:s0+$0x4000];
	[tilespmem:s25+$0x4030] =	vst v6;
	v6 =	vadd.f32 v7, v10;
	v7 =	vmul.f32 v12, v5  }
0x59: {  	v16 =	vld [tilespmem:s0+$0x10000];
	v9 =	vmul.f32 v9, v4  }
0x5a: {  	v17 =	vld [tilespmem:s0+$0x4010];
	[tilespmem:s25+$0x4040] =	vst v6;
	v6 =	vadd.f32 v7, v11;
	v11 =	vmul.f32 v14, v5  }
.Ltmp4:
0x5b: {  	v10 =	vld [tilespmem:s0+$0x10010];
	(pc) =	sbr.rel @p0 .LBB2_3-.Ltmp4, $4  }
0x5c: {  	v15 =	vmul.f32 v15, v4;
	v7 =	vld [tilespmem:s0+$0x4020];
	v18 =	vmul.f32 v8, v5;
	[tilespmem:s25+$0x4050] =	vst v6;
	v9 =	vadd.f32 v11, v9  }
0x5d: {  	v12 =	vmul.f32 v13, v4;
	v8 =	vld [tilespmem:s0+$0x10020]  }
0x5e: {  	v14 =	vmul.f32 v16, v5;
	v6 =	vld [tilespmem:s0+$0x4030];
	v13 =	vadd.f32 v18, v15;
	[tilespmem:s25+$0x4060] =	vst v9;
	s25 =	smov.u32 s0  }
0x5f: {  	v11 =	vmul.f32 v17, v4;
	v9 =	vld [tilespmem:s25+$0x10030]  }
0x60: {  	v15 =	vld [tilespmem:s25+$0x4040]  }
0x61: {  	v16 =	vld [tilespmem:s25+$0x10040]  }
0x62: {  	v17 =	vld [tilespmem:s25+$0x4050]  }
0x63: {  	v18 =	vld [tilespmem:s25+$0x10050]  }
0x64: {  	v19 =	vld [tilespmem:s25+$0x4060]  }
0x65: {  	v10 =	vmul.f32 v10, v5;
	v20 =	vld [tilespmem:s25+$0x10060]  }
0x66: {  	v12 =	vadd.f32 v14, v12;
	v7 =	vmul.f32 v7, v4;
	v8 =	vmul.f32 v8, v5  }
0x67: {  	[tilespmem:s25+$0x4070] =	vst v13;
	v10 =	vadd.f32 v10, v11;
	v6 =	vmul.f32 v6, v4;
	v9 =	vmul.f32 v9, v5  }
0x68: {  	[tilespmem:s25+$0x4000] =	vst v12;
	v7 =	vadd.f32 v8, v7;
	v58 =	vmul.f32 v15, v4;
	v59 =	vmul.f32 v16, v5  }
0x69: {  	s0 =	sshrl.u32 s23, $0x4;
	s28 =	sshll.u32 s23, $0xB;
	[tilespmem:s25+$0x4010] =	vst v10;
	v60 =	vmul.f32 v17, v4;
	v61 =	vmul.f32 v18, v5;
	v6 =	vadd.f32 v9, v6  }
0x6a: {  	s29 =	sadd.s32 $0x4000, s26;
	s0 =	sadd.s32 s6, s0;
	s31 =	sand.u32 $0x7800, s28;
	v4 =	vmul.f32 v19, v4;
	v5 =	vmul.f32 v20, v5;
	[tilespmem:s25+$0x4020] =	vst v7;
	v62 =	vadd.f32 v59, v58  }
0x6b: {  	s26 =	sadd.s32 $0x2, s23;
	s0 =	sshll.u32 s0, $0xF;
	s28 =	sadd.s32 s2, s31;
	v63 =	vadd.f32 v61, v60;
	[tilespmem:s25+$0x4030] =	vst v6  }
0x6c: {  	s31 =	sadd.s32 $0xFFFFFFFF, s23;
	s0 =	sadd.s32 s0, s28;
	s28 =	smulhi.u32 $0xAAAAAAAB, s26;
	v4 =	vadd.f32 v5, v4;
	[tilespmem:s25+$0x4040] =	vst v62  }
0x6d: {  	p0 =	sgt.u32 s31, $0x1C;
	[tilespmem:s25+$0x4050] =	vst v63  }
.Ltmp5:
0x6e: {  	s24 =	sadd.s32 $0x4, s24;
	s30 =	sshrl.u32 s28, $0x1;
	[tilespmem:s25+$0x4060] =	vst v4;
	(pc) =	sbr.rel @!p0 .LBB2_5-.Ltmp5, $3  }
0x6f: {  	[hbm4b:s0+s4] =	stream.linear.scatter [tilespmem:s29], [sflag:s24], $0x4000, $0x38;
	[tilespmem:$0x1C000] =	vst v63  }
0x70: {  	s0 =	smul.u32 $0x3, s30;
	_ =	sdelay $0x1  }
0x71: {  	s24 =	ssub.s32 s26, s0  }
0x72: {  	p0 =	sgt.u32 s23, $0x1D  }
.Ltmp6:
0x73: {  	_ = 	snop;
	(pc) =	sbr.rel @p0 .LBB2_8-.Ltmp6, $4  }
.Ltmp7:
0x74: {  	_ = 	snop;
	(pc) =	sbr.rel @!p0 .LBB2_7-.Ltmp7, $4  }
0x75: {  	_ = 	snop  }
0x76: {  	_ = 	snop  }
0x77: {  	_ = 	snop  }
0x78: {  	_ = 	snop  }
.LBB2_10:
0x79: {  	_ =	sfence.sel $0x180000  }
0x7a: {  	[bflag:$0x0] =	sbarrier.arrive $0xFFFF  }
0x7b: {  	_ =	strace $0x90000047  }
0x7c: {  	[bflag:$0x2] =	sbarrier.arrive $0xFFFF  }
0x7d: {  	p0 =	sne.s32 s3, $0x0;
	s0 =	rddreg [dreg:$0x3]  }
0x7e: {  	s0 =	sadd.s32 @!p0 $0x100000, s0  }
0x7f: {  	[sflag:s0] =	ssyncadd.tile.s32 @!p0 $0x1;
	_ =	shalt  }
.Lfunc_end2:
_tile_overlayer_lowered:
.L_overlay_start_2:
0x80: {  	(tag) =	ssettag $0x2  }
0x81: {  	s0 =	rddreg [dreg:$0x0];
	s2 =	stileid.u32  }
0x82: {  	s1 =	rddreg [dreg:$0x1];
	p0 =	sne.s32 s2, $0x0  }
0x83: {  	s3 =	rddreg [dreg:$0x2];
	[bflag:$0x3] =	sbarrier.arrive $0xFFFF;
	s2 =	simm.s32 @!p0 $0x1C07  }
0x84: {  	[timem:s3], [sflag:s2] =	dma.local @!p0 [hbm:s0], s1  }
0x85: {  	s0 =	simm.s32 @!p0 $0x7  }
0x86: {  	_ =	swait.ge @!p0 [sflag:s0], s1  }
0x87: {  	s1 =	ssub.s32 @!p0 $0x0, s1;
	[sflag:s0] =	ssyncset.done @!p0 $0x0  }
0x88: {  	[sflag:s0] =	ssyncadd.s32 @!p0 s1  }
0x89: {  	[bflag:$0x3] =	sbarrier.arrive $0xFFFF  }
0x8a: {  	_ =	shalt  }

</sc_bundles>
